<compile_context>
chip_gen: v7x
topology: tpu7x:2x2x1
jax: 0.10.2.dev20260603
libtpu: 0.0.44.dev20260713+nightly
codegen_flags: <defaults>
</compile_context>

<pallas_src>
import functools

import jax
import jax.numpy as jnp
import numpy as np
from jax import lax
from jax.experimental import pallas as pl
from jax.experimental.pallas import tpu as pltpu
from jax.experimental.pallas import tpu_sc as plsc

N_NODES = 10000
D = 128
E = 320000
D_EDGE = 16
FC_HIDDEN = 64
AVG_NUM_NEIGHBORS = 32.0
LOG2 = float(np.log(2.0))

NCORES = 2
NSUB = 16
NTILES = NCORES * NSUB
CHUNK = 64
CPT = 160
E_PAD = NTILES * CPT * CHUNK
ZR = 624


def _ssp(z):
    return jnp.maximum(z, 0.0) + jnp.log1p(jnp.exp(-jnp.abs(z))) - LOG2


def _h_body(x_ref, w_ref, o_ref):
    o_ref[...] = jnp.dot(x_ref[...], w_ref[...], preferred_element_type=jnp.float32)


def _node_linear(x, w):
    return pl.pallas_call(
        _h_body,
        grid=(10,),
        in_specs=[
            pl.BlockSpec((N_NODES // 10, D), lambda i: (i, 0)),
            pl.BlockSpec((D, D), lambda i: (0, 0)),
        ],
        out_specs=pl.BlockSpec((N_NODES // 10, D), lambda i: (i, 0)),
        out_shape=jax.ShapeDtypeStruct((N_NODES, D), jnp.float32),
    )(x, w)


_BE = 4096


def _we_body(ee_ref, attr_ref, wfc1_ref, b_ref, wfc2_ref, o_ref):
    z = jnp.dot(ee_ref[...], wfc1_ref[...], preferred_element_type=jnp.float32)
    z = z + b_ref[...]
    t = _ssp(z) * attr_ref[...]
    o_ref[...] = jnp.dot(t, wfc2_ref[...], preferred_element_type=jnp.float32)


def _edge_weights(ee_pad, attr_pad, wfc1, bfc1, wfc2):
    return pl.pallas_call(
        _we_body,
        grid=(E_PAD // _BE,),
        in_specs=[
            pl.BlockSpec((_BE, D_EDGE), lambda i: (i, 0)),
            pl.BlockSpec((_BE, 1), lambda i: (i, 0)),
            pl.BlockSpec((D_EDGE, FC_HIDDEN), lambda i: (0, 0)),
            pl.BlockSpec((1, FC_HIDDEN), lambda i: (0, 0)),
            pl.BlockSpec((FC_HIDDEN, D), lambda i: (0, 0)),
        ],
        out_specs=pl.BlockSpec((_BE, D), lambda i: (i, 0)),
        out_shape=jax.ShapeDtypeStruct((E_PAD, D), jnp.float32),
    )(ee_pad, attr_pad, wfc1, bfc1.reshape(1, FC_HIDDEN), wfc2)


def _sc_agg_body(h_hbm, src_hbm, dst_hbm, we_hbm, out_hbm,
                 src0, src1, dst0, dst1, dst2, dst3,
                 rows0, rows1, we0, we1, acc,
                 gsem0, gsem1, wsem0, wsem1, isem0, isem1, ssem0, ssem1):
    c = lax.axis_index("c")
    s = lax.axis_index("s")
    w = c * NSUB + s
    tc0 = w * CPT
    srcb = (src0, src1)
    dstb = (dst0, dst1, dst2, dst3)
    rows = (rows0, rows1)
    web = (we0, we1)
    gsem = (gsem0, gsem1)
    wsem = (wsem0, wsem1)
    isem = (isem0, isem1)
    ssem = (ssem0, ssem1)

    def _issue_idx(g, sb, db, sem):
        pltpu.async_copy(src_hbm.at[pl.ds(g * CHUNK, CHUNK)], sb, sem)
        pltpu.async_copy(dst_hbm.at[pl.ds(g * CHUNK, CHUNK)], db, sem)

    def _wait_idx(sb, db, sem):
        pltpu.make_async_copy(src_hbm.at[pl.ds(0, CHUNK)], sb, sem).wait()
        pltpu.make_async_copy(dst_hbm.at[pl.ds(0, CHUNK)], db, sem).wait()

    _issue_idx(tc0, srcb[0], dstb[0], isem[0])
    _issue_idx(tc0 + 1, srcb[1], dstb[1], isem[1])

    def _zrow(r, carry):
        for k in range(8):
            we0[r, pl.ds(k * 16, 16)] = jnp.zeros((16,), jnp.float32)
        return carry

    lax.fori_loop(0, CHUNK, _zrow, 0)
    base_r = s * ZR
    for t in range(ZR // CHUNK):
        pltpu.sync_copy(we0, acc.at[pl.ds(base_r + t * CHUNK, CHUNK)])
    pltpu.sync_copy(
        we0.at[pl.ds(0, ZR % CHUNK)],
        acc.at[pl.ds(base_r + (ZR // CHUNK) * CHUNK, ZR % CHUNK)])

    @pl.when(s == NSUB - 1)
    def _zero_tail():
        pltpu.sync_copy(we0.at[pl.ds(0, N_NODES - NSUB * ZR)],
                        acc.at[pl.ds(NSUB * ZR, N_NODES - NSUB * ZR)])

    plsc.subcore_barrier()

    _wait_idx(srcb[0], dstb[0], isem[0])
    pltpu.async_copy(h_hbm.at[srcb[0]], rows[0], gsem[0])
    pltpu.async_copy(we_hbm.at[pl.ds(tc0 * CHUNK, CHUNK)], web[0], wsem[0])

    def _mul(rb, wb):
        def _mrow(r, cc):
            for k in range(8):
                sl = pl.ds(k * 16, 16)
                rb[r, sl] = rb[r, sl] * wb[r, sl]
            return cc
        lax.fori_loop(0, CHUNK, _mrow, 0)

    def _quad(p, carry):
        for u in range(4):
            b = u % 2
            nb = 1 - b
            jj = 4 * p + u
            g = tc0 + jj

            @pl.when(jj + 1 < CPT)
            def _start_next():
                _wait_idx(srcb[nb], dstb[(u + 1) % 4], isem[nb])

                @pl.when(jj >= 1)
                def _free_rows():
                    pltpu.make_async_copy(
                        rows[nb], acc.at[dstb[(u - 1) % 4]], ssem[nb]).wait()

                pltpu.async_copy(h_hbm.at[srcb[nb]], rows[nb], gsem[nb])
                pltpu.async_copy(
                    we_hbm.at[pl.ds((g + 1) * CHUNK, CHUNK)], web[nb], wsem[nb])

            pltpu.make_async_copy(h_hbm.at[srcb[b]], rows[b], gsem[b]).wait()
            pltpu.make_async_copy(
                we_hbm.at[pl.ds(0, CHUNK)], web[b], wsem[b]).wait()

            @pl.when(jj + 2 < CPT)
            def _fetch_idx():
                _issue_idx(g + 2, srcb[b], dstb[(u + 2) % 4], isem[b])

            _mul(rows[b], web[b])
            pltpu.async_copy(rows[b], acc.at[dstb[u]], ssem[b], add=True)
        return carry

    lax.fori_loop(0, CPT // 4, _quad, 0)

    pltpu.make_async_copy(rows[0], acc.at[dstb[2]], ssem[0]).wait()
    pltpu.make_async_copy(rows[1], acc.at[dstb[3]], ssem[1]).wait()

    plsc.subcore_barrier()
    pltpu.sync_copy(acc.at[pl.ds(base_r, ZR)],
                    out_hbm.at[pl.ds(c * N_NODES + base_r, ZR)])

    @pl.when(s == NSUB - 1)
    def _copy_tail():
        tail = N_NODES - NSUB * ZR
        pltpu.sync_copy(acc.at[pl.ds(NSUB * ZR, tail)],
                        out_hbm.at[pl.ds(c * N_NODES + NSUB * ZR, tail)])


def _sc_aggregate(h, src_pad, dst_pad, we):
    mesh = plsc.VectorSubcoreMesh(
        core_axis_name="c", subcore_axis_name="s",
        num_cores=NCORES, num_subcores=NSUB)
    kern = functools.partial(
        pl.kernel,
        mesh=mesh,
        out_type=jax.ShapeDtypeStruct((NCORES * N_NODES, D), jnp.float32),
        scratch_types=(
            [pltpu.VMEM((CHUNK,), jnp.int32) for _ in range(6)]
            + [pltpu.VMEM((CHUNK, D), jnp.float32) for _ in range(4)]
            + [pltpu.VMEM_SHARED((N_NODES, D), jnp.float32)]
            + [pltpu.SemaphoreType.DMA for _ in range(8)]
        ),
    )(_sc_agg_body)
    return kern(h, src_pad, dst_pad, we)


def _out_body(p0_ref, p1_ref, x_ref, w2_ref, wsc_ref, o_ref):
    agg = p0_ref[...] + p1_ref[...]
    acc = jnp.dot(agg, w2_ref[...], preferred_element_type=jnp.float32)
    acc = acc + jnp.dot(x_ref[...], wsc_ref[...], preferred_element_type=jnp.float32)
    o_ref[...] = x_ref[...] + _ssp(acc)


def _final(partials, x, w2s, wsc):
    nb = N_NODES // 10
    return pl.pallas_call(
        _out_body,
        grid=(10,),
        in_specs=[
            pl.BlockSpec((nb, D), lambda i: (i, 0)),
            pl.BlockSpec((nb, D), lambda i: (i, 0)),
            pl.BlockSpec((nb, D), lambda i: (i, 0)),
            pl.BlockSpec((D, D), lambda i: (0, 0)),
            pl.BlockSpec((D, D), lambda i: (0, 0)),
        ],
        out_specs=pl.BlockSpec((nb, D), lambda i: (i, 0)),
        out_shape=jax.ShapeDtypeStruct((N_NODES, D), jnp.float32),
    )(partials[:N_NODES], partials[N_NODES:], x, w2s, wsc)


def kernel(node_features, edge_index, edge_attrs, edge_embedding,
           W1, Wfc1, bfc1, Wfc2, W2, Wsc):
    src = edge_index[0].astype(jnp.int32)
    dst = edge_index[1].astype(jnp.int32)
    pad = E_PAD - E
    src_pad = jnp.concatenate([src, jnp.zeros((pad,), jnp.int32)])
    dst_pad = jnp.concatenate([dst, jnp.zeros((pad,), jnp.int32)])
    ee_pad = jnp.concatenate(
        [edge_embedding, jnp.zeros((pad, D_EDGE), jnp.float32)])
    attr_pad = jnp.concatenate([edge_attrs, jnp.zeros((pad, 1), jnp.float32)])

    h = _node_linear(node_features, W1)
    we = _edge_weights(ee_pad, attr_pad, Wfc1, bfc1, Wfc2)
    partials = _sc_aggregate(h, src_pad, dst_pad, we)
    w2s = W2 * np.float32(1.0 / np.sqrt(AVG_NUM_NEIGHBORS))
    return _final(partials, node_features, w2s, Wsc)

# --- scband reference (transcript-rebuilt; emitter-appended) ---
"""Pipeline reference for scband-conv-net-layer-48773648614366 (READ-ONLY COPY).

The authoritative reference and input builder live on the scoring server;
editing this copy changes nothing except your own understanding.
"""

import jax, jax.numpy as jnp
import numpy as np

N_NODES = 10000
N_EDGES = 320000
D_FEAT = 128
D_EDGE = 16
FC_HIDDEN = 64
AVG_NUM_NEIGHBORS = 32.0


def ssp(x):
    # ShiftedSoftPlus
    return jax.nn.softplus(x) - jnp.log(2.0)


def setup_inputs(seed: int = 0) -> dict:
    key = jax.random.key(seed)
    ks = jax.random.split(key, 12)
    node_features = jax.random.normal(ks[0], (N_NODES, D_FEAT), dtype=jnp.float32)
    edge_index = jax.random.randint(ks[1], (2, N_EDGES), 0, N_NODES)
    edge_attrs = jax.random.uniform(ks[2], (N_EDGES, 1), dtype=jnp.float32)
    edge_embedding = jax.random.uniform(ks[3], (N_EDGES, D_EDGE), dtype=jnp.float32)
    # learned parameters (InteractionBlock with all-scalar irreps 128x0e)
    W1 = jax.random.normal(ks[4], (D_FEAT, D_FEAT), dtype=jnp.float32) / np.sqrt(D_FEAT)   # linear_1
    Wfc1 = jax.random.normal(ks[5], (D_EDGE, FC_HIDDEN), dtype=jnp.float32) / np.sqrt(D_EDGE)  # radial MLP layer 1
    bfc1 = jnp.zeros((FC_HIDDEN,), dtype=jnp.float32)
    Wfc2 = jax.random.normal(ks[6], (FC_HIDDEN, D_FEAT), dtype=jnp.float32) / np.sqrt(FC_HIDDEN)  # radial MLP layer 2 -> tp weights
    W2 = jax.random.normal(ks[7], (D_FEAT, D_FEAT), dtype=jnp.float32) / np.sqrt(D_FEAT)   # linear_2
    Wsc = jax.random.normal(ks[8], (D_FEAT, D_FEAT), dtype=jnp.float32) / np.sqrt(D_FEAT)  # self-connection
    return {
        "node_features": node_features,
        "edge_index": edge_index,
        "edge_attrs": edge_attrs,
        "edge_embedding": edge_embedding,
        "W1": W1, "Wfc1": Wfc1, "bfc1": bfc1, "Wfc2": Wfc2, "W2": W2, "Wsc": Wsc,
    }


def reference(node_features, edge_index, edge_attrs, edge_embedding, W1, Wfc1, bfc1, Wfc2, W2, Wsc):
    # ConvNetLayer.forward with all-scalar (128x0e) irreps:
    #   old_x = x; x = InteractionBlock(data); x = Gate(x) (scalar-only -> ShiftedSoftPlus); x = old_x + x
    old_x = node_features
    src = edge_index[0]
    dst = edge_index[1]
    # InteractionBlock: linear_1
    h = node_features @ W1
    # radial network on edge embedding -> per-edge tensor-product weights
    tp_w = ssp(edge_embedding @ Wfc1 + bfc1) @ Wfc2  # [E, D_FEAT]
    # tensor product (0e x 0e -> 0e): elementwise multiply of gathered node feats, edge attrs, weights
    msg = h[src] * edge_attrs * tp_w  # [E, D_FEAT]
    # scatter-sum over destination nodes, normalize by avg_num_neighbors^0.5
    agg = jax.ops.segment_sum(msg, dst, num_segments=N_NODES)
    agg = agg / jnp.sqrt(AVG_NUM_NEIGHBORS)
    # linear_2
    out = agg @ W2
    # self-connection skip inside InteractionBlock
    out = out + node_features @ Wsc
    # equivariant nonlinearity (Gate on pure scalars == ShiftedSoftPlus)
    out = ssp(out)
    # resnet (irreps_layer_out == irreps_layer_out_prev and resnet=True)
    out = old_x + out
    return out

if __name__ == "__main__":
    import jax
    _d = setup_inputs()
    print(jax.jit(kernel)(*tuple(_d.values())))

</pallas_src>

<mosaic_0001>
#map = affine_map<(d0, d1) -> (0, 0)>
#map1 = affine_map<(d0, d1) -> (0)>
module attributes {stable_mosaic.version = 14 : i64} {
  func.func @_sc_agg_body(%arg0: i32, %arg1: i32, %arg2: memref<10000x128xf32, #tpu.memory_space<hbm>>, %arg3: memref<327680xi32, #tpu.memory_space<hbm>>, %arg4: memref<327680xi32, #tpu.memory_space<hbm>>, %arg5: memref<327680x128xf32, #tpu.memory_space<hbm>>, %arg6: memref<20000x128xf32, #tpu.memory_space<hbm>>, %arg7: memref<64xi32, #tpu.memory_space<vmem>>, %arg8: memref<64xi32, #tpu.memory_space<vmem>>, %arg9: memref<64xi32, #tpu.memory_space<vmem>>, %arg10: memref<64xi32, #tpu.memory_space<vmem>>, %arg11: memref<64xi32, #tpu.memory_space<vmem>>, %arg12: memref<64xi32, #tpu.memory_space<vmem>>, %arg13: memref<64x128xf32, #tpu.memory_space<vmem>>, %arg14: memref<64x128xf32, #tpu.memory_space<vmem>>, %arg15: memref<64x128xf32, #tpu.memory_space<vmem>>, %arg16: memref<64x128xf32, #tpu.memory_space<vmem>>, %arg17: memref<10000x128xf32, #tpu.memory_space<vmem_shared>>, %arg18: memref<!tpu.dma_semaphore, #tpu.memory_space<semaphore_mem>>, %arg19: memref<!tpu.dma_semaphore, #tpu.memory_space<semaphore_mem>>, %arg20: memref<!tpu.dma_semaphore, #tpu.memory_space<semaphore_mem>>, %arg21: memref<!tpu.dma_semaphore, #tpu.memory_space<semaphore_mem>>, %arg22: memref<!tpu.dma_semaphore, #tpu.memory_space<semaphore_mem>>, %arg23: memref<!tpu.dma_semaphore, #tpu.memory_space<semaphore_mem>>, %arg24: memref<!tpu.dma_semaphore, #tpu.memory_space<semaphore_mem>>, %arg25: memref<!tpu.dma_semaphore, #tpu.memory_space<semaphore_mem>>) attributes {dimension_semantics = [#tpu.dimension_semantics<core_parallel>, #tpu.dimension_semantics<subcore_parallel>], iteration_bounds = array<i64: 2, 16>, scalar_prefetch = 0 : i64, scratch_operands = 19 : i64, tpu.core_type = #tpu.core_type<sc_vector_subcore>, window_params = [{transform_indices = #map}, {transform_indices = #map1}, {transform_indices = #map1}, {transform_indices = #map}, {transform_indices = #map}]} {
    %mul3A = arith.constant 16 : i32
    %mul3A_0 = arith.muli %arg0, %mul3A : i32
    %add3A = arith.addi %mul3A_0, %arg1 : i32
    %mul3A_1 = arith.constant 160 : i32
    %mul3A_2 = arith.muli %add3A, %mul3A_1 : i32
    %mul3A_3 = arith.constant 64 : i32
    %mul3A_4 = arith.muli %mul3A_2, %mul3A_3 : i32
    %dma_start3A = tpu.memref_slice %arg3[%mul3A_4] : memref<327680xi32, #tpu.memory_space<hbm>> -> memref<64xi32, #tpu.memory_space<hbm>>
    %dma_start3A_5 = tpu.memref_slice %arg3[%mul3A_4] : memref<327680xi32, #tpu.memory_space<hbm>> -> memref<64xi32, #tpu.memory_space<hbm>>
    tpu.enqueue_dma source(%dma_start3A_5 : memref<64xi32, #tpu.memory_space<hbm>>) target(%arg7 : memref<64xi32, #tpu.memory_space<vmem>>) target_semaphore(%arg22 : memref<!tpu.dma_semaphore, #tpu.memory_space<semaphore_mem>>)
    %mul3A_6 = arith.constant 64 : i32
    %mul3A_7 = arith.muli %mul3A_2, %mul3A_6 : i32
    %dma_start3A_8 = tpu.memref_slice %arg4[%mul3A_7] : memref<327680xi32, #tpu.memory_space<hbm>> -> memref<64xi32, #tpu.memory_space<hbm>>
    %dma_start3A_9 = tpu.memref_slice %arg4[%mul3A_7] : memref<327680xi32, #tpu.memory_space<hbm>> -> memref<64xi32, #tpu.memory_space<hbm>>
    tpu.enqueue_dma source(%dma_start3A_9 : memref<64xi32, #tpu.memory_space<hbm>>) target(%arg9 : memref<64xi32, #tpu.memory_space<vmem>>) target_semaphore(%arg22 : memref<!tpu.dma_semaphore, #tpu.memory_space<semaphore_mem>>)
    %add3A_10 = arith.constant 1 : i32
    %add3A_11 = arith.addi %mul3A_2, %add3A_10 : i32
    %mul3A_12 = arith.constant 64 : i32
    %mul3A_13 = arith.muli %add3A_11, %mul3A_12 : i32
    %dma_start3A_14 = tpu.memref_slice %arg3[%mul3A_13] : memref<327680xi32, #tpu.memory_space<hbm>> -> memref<64xi32, #tpu.memory_space<hbm>>
    %dma_start3A_15 = tpu.memref_slice %arg3[%mul3A_13] : memref<327680xi32, #tpu.memory_space<hbm>> -> memref<64xi32, #tpu.memory_space<hbm>>
    tpu.enqueue_dma source(%dma_start3A_15 : memref<64xi32, #tpu.memory_space<hbm>>) target(%arg8 : memref<64xi32, #tpu.memory_space<vmem>>) target_semaphore(%arg23 : memref<!tpu.dma_semaphore, #tpu.memory_space<semaphore_mem>>)
    %mul3A_16 = arith.constant 64 : i32
    %mul3A_17 = arith.muli %add3A_11, %mul3A_16 : i32
    %dma_start3A_18 = tpu.memref_slice %arg4[%mul3A_17] : memref<327680xi32, #tpu.memory_space<hbm>> -> memref<64xi32, #tpu.memory_space<hbm>>
    %dma_start3A_19 = tpu.memref_slice %arg4[%mul3A_17] : memref<327680xi32, #tpu.memory_space<hbm>> -> memref<64xi32, #tpu.memory_space<hbm>>
    tpu.enqueue_dma source(%dma_start3A_19 : memref<64xi32, #tpu.memory_space<hbm>>) target(%arg10 : memref<64xi32, #tpu.memory_space<vmem>>) target_semaphore(%arg23 : memref<!tpu.dma_semaphore, #tpu.memory_space<semaphore_mem>>)
    %scan3A = arith.constant 0 : i32
    %scan3A_20 = arith.constant 0 : i32
    %scan3A_21 = arith.constant 64 : i32
    %scan3A_22 = arith.addi %scan3A_20, %scan3A_21 : i32
    %scan3A_23 = arith.constant 1 : i32
    scf.for %scan3A_86 = %scan3A_20 to %scan3A_22 step %scan3A_23  : i32 {
      %broadcast_in_dim3A = arith.constant 0.000000e+00 : f32
      %broadcast_in_dim3A_87 = vector.broadcast %broadcast_in_dim3A : f32 to vector<16xf32>
      %swap3A = arith.index_cast %scan3A_86 : i32 to index
      %swap3A_88 = arith.constant 0 : index
      %swap3A_89 = tpu.vector_load %arg15[%swap3A, %swap3A_88] {strides = array<i32>} : memref<64x128xf32, #tpu.memory_space<vmem>>, vector<1x16xf32>,
      %swap3A_90 = vector.shape_cast %swap3A_89 : vector<1x16xf32> to vector<16xf32>
      %swap3A_91 = vector.shape_cast %broadcast_in_dim3A_87 : vector<16xf32> to vector<1x16xf32>
      tpu.vector_store %arg15[%swap3A, %swap3A_88], %swap3A_91 {strides = array<i32>} : memref<64x128xf32, #tpu.memory_space<vmem>>, vector<1x16xf32>,
      %broadcast_in_dim3A_92 = arith.constant 0.000000e+00 : f32
      %broadcast_in_dim3A_93 = vector.broadcast %broadcast_in_dim3A_92 : f32 to vector<16xf32>
      %swap3A_94 = arith.index_cast %scan3A_86 : i32 to index
      %swap3A_95 = arith.constant 16 : index
      %swap3A_96 = tpu.vector_load %arg15[%swap3A_94, %swap3A_95] {strides = array<i32>} : memref<64x128xf32, #tpu.memory_space<vmem>>, vector<1x16xf32>,
      %swap3A_97 = vector.shape_cast %swap3A_96 : vector<1x16xf32> to vector<16xf32>
      %swap3A_98 = vector.shape_cast %broadcast_in_dim3A_93 : vector<16xf32> to vector<1x16xf32>
      tpu.vector_store %arg15[%swap3A_94, %swap3A_95], %swap3A_98 {strides = array<i32>} : memref<64x128xf32, #tpu.memory_space<vmem>>, vector<1x16xf32>,
      %broadcast_in_dim3A_99 = arith.constant 0.000000e+00 : f32
      %broadcast_in_dim3A_100 = vector.broadcast %broadcast_in_dim3A_99 : f32 to vector<16xf32>
      %swap3A_101 = arith.index_cast %scan3A_86 : i32 to index
      %swap3A_102 = arith.constant 32 : index
      %swap3A_103 = tpu.vector_load %arg15[%swap3A_101, %swap3A_102] {strides = array<i32>} : memref<64x128xf32, #tpu.memory_space<vmem>>, vector<1x16xf32>,
      %swap3A_104 = vector.shape_cast %swap3A_103 : vector<1x16xf32> to vector<16xf32>
      %swap3A_105 = vector.shape_cast %broadcast_in_dim3A_100 : vector<16xf32> to vector<1x16xf32>
      tpu.vector_store %arg15[%swap3A_101, %swap3A_102], %swap3A_105 {strides = array<i32>} : memref<64x128xf32, #tpu.memory_space<vmem>>, vector<1x16xf32>,
      %broadcast_in_dim3A_106 = arith.constant 0.000000e+00 : f32
      %broadcast_in_dim3A_107 = vector.broadcast %broadcast_in_dim3A_106 : f32 to vector<16xf32>
      %swap3A_108 = arith.index_cast %scan3A_86 : i32 to index
      %swap3A_109 = arith.constant 48 : index
      %swap3A_110 = tpu.vector_load %arg15[%swap3A_108, %swap3A_109] {strides = array<i32>} : memref<64x128xf32, #tpu.memory_space<vmem>>, vector<1x16xf32>,
      %swap3A_111 = vector.shape_cast %swap3A_110 : vector<1x16xf32> to vector<16xf32>
      %swap3A_112 = vector.shape_cast %broadcast_in_dim3A_107 : vector<16xf32> to vector<1x16xf32>
      tpu.vector_store %arg15[%swap3A_108, %swap3A_109], %swap3A_112 {strides = array<i32>} : memref<64x128xf32, #tpu.memory_space<vmem>>, vector<1x16xf32>,
      %broadcast_in_dim3A_113 = arith.constant 0.000000e+00 : f32
      %broadcast_in_dim3A_114 = vector.broadcast %broadcast_in_dim3A_113 : f32 to vector<16xf32>
      %swap3A_115 = arith.index_cast %scan3A_86 : i32 to index
      %swap3A_116 = arith.constant 64 : index
      %swap3A_117 = tpu.vector_load %arg15[%swap3A_115, %swap3A_116] {strides = array<i32>} : memref<64x128xf32, #tpu.memory_space<vmem>>, vector<1x16xf32>,
      %swap3A_118 = vector.shape_cast %swap3A_117 : vector<1x16xf32> to vector<16xf32>
      %swap3A_119 = vector.shape_cast %broadcast_in_dim3A_114 : vector<16xf32> to vector<1x16xf32>
      tpu.vector_store %arg15[%swap3A_115, %swap3A_116], %swap3A_119 {strides = array<i32>} : memref<64x128xf32, #tpu.memory_space<vmem>>, vector<1x16xf32>,
      %broadcast_in_dim3A_120 = arith.constant 0.000000e+00 : f32
      %broadcast_in_dim3A_121 = vector.broadcast %broadcast_in_dim3A_120 : f32 to vector<16xf32>
      %swap3A_122 = arith.index_cast %scan3A_86 : i32 to index
      %swap3A_123 = arith.constant 80 : index
      %swap3A_124 = tpu.vector_load %arg15[%swap3A_122, %swap3A_123] {strides = array<i32>} : memref<64x128xf32, #tpu.memory_space<vmem>>, vector<1x16xf32>,
      %swap3A_125 = vector.shape_cast %swap3A_124 : vector<1x16xf32> to vector<16xf32>
      %swap3A_126 = vector.shape_cast %broadcast_in_dim3A_121 : vector<16xf32> to vector<1x16xf32>
      tpu.vector_store %arg15[%swap3A_122, %swap3A_123], %swap3A_126 {strides = array<i32>} : memref<64x128xf32, #tpu.memory_space<vmem>>, vector<1x16xf32>,
      %broadcast_in_dim3A_127 = arith.constant 0.000000e+00 : f32
      %broadcast_in_dim3A_128 = vector.broadcast %broadcast_in_dim3A_127 : f32 to vector<16xf32>
      %swap3A_129 = arith.index_cast %scan3A_86 : i32 to index
      %swap3A_130 = arith.constant 96 : index
      %swap3A_131 = tpu.vector_load %arg15[%swap3A_129, %swap3A_130] {strides = array<i32>} : memref<64x128xf32, #tpu.memory_space<vmem>>, vector<1x16xf32>,
      %swap3A_132 = vector.shape_cast %swap3A_131 : vector<1x16xf32> to vector<16xf32>
      %swap3A_133 = vector.shape_cast %broadcast_in_dim3A_128 : vector<16xf32> to vector<1x16xf32>
      tpu.vector_store %arg15[%swap3A_129, %swap3A_130], %swap3A_133 {strides = array<i32>} : memref<64x128xf32, #tpu.memory_space<vmem>>, vector<1x16xf32>,
      %broadcast_in_dim3A_134 = arith.constant 0.000000e+00 : f32
      %broadcast_in_dim3A_135 = vector.broadcast %broadcast_in_dim3A_134 : f32 to vector<16xf32>
      %swap3A_136 = arith.index_cast %scan3A_86 : i32 to index
      %swap3A_137 = arith.constant 112 : index
      %swap3A_138 = tpu.vector_load %arg15[%swap3A_136, %swap3A_137] {strides = array<i32>} : memref<64x128xf32, #tpu.memory_space<vmem>>, vector<1x16xf32>,
      %swap3A_139 = vector.shape_cast %swap3A_138 : vector<1x16xf32> to vector<16xf32>
      %swap3A_140 = vector.shape_cast %broadcast_in_dim3A_135 : vector<16xf32> to vector<1x16xf32>
      tpu.vector_store %arg15[%swap3A_136, %swap3A_137], %swap3A_140 {strides = array<i32>} : memref<64x128xf32, #tpu.memory_space<vmem>>, vector<1x16xf32>,
    }
    %scan3A_24 = arith.constant 64 : i32
    %mul3A_25 = arith.constant 624 : i32
    %mul3A_26 = arith.muli %arg1, %mul3A_25 : i32
    %add3A_27 = arith.constant 0 : i32
    %add3A_28 = arith.addi %mul3A_26, %add3A_27 : i32
    "tpu.region"() ({
      %run_scoped3A = tpu.sem_alloc : memref<!tpu.dma_semaphore, #tpu.memory_space<semaphore_mem>>
      %dma_start3A_86 = arith.constant 0 : i32
      %dma_start3A_87 = tpu.memref_slice %arg17[%add3A_28, %dma_start3A_86] : memref<10000x128xf32, #tpu.memory_space<vmem_shared>> -> memref<64x128xf32, #tpu.memory_space<vmem_shared>>
      %dma_start3A_88 = arith.constant 0 : i32
      %dma_start3A_89 = tpu.memref_slice %arg17[%add3A_28, %dma_start3A_88] : memref<10000x128xf32, #tpu.memory_space<vmem_shared>> -> memref<64x128xf32, #tpu.memory_space<vmem_shared>>
      tpu.enqueue_dma source(%arg15 : memref<64x128xf32, #tpu.memory_space<vmem>>) target(%dma_start3A_89 : memref<64x128xf32, #tpu.memory_space<vmem_shared>>) target_semaphore(%run_scoped3A : memref<!tpu.dma_semaphore, #tpu.memory_space<semaphore_mem>>)
      %dma_wait3A_90 = arith.constant 0 : i32
      %dma_wait3A_91 = tpu.memref_slice %arg17[%add3A_28, %dma_wait3A_90] : memref<10000x128xf32, #tpu.memory_space<vmem_shared>> -> memref<64x128xf32, #tpu.memory_space<vmem_shared>>
      %dma_wait3A_92 = arith.constant 0 : i32
      %dma_wait3A_93 = tpu.memref_slice %arg17[%add3A_28, %dma_wait3A_92] : memref<10000x128xf32, #tpu.memory_space<vmem_shared>> -> memref<64x128xf32, #tpu.memory_space<vmem_shared>>
      tpu.wait_dma2 semaphore(%run_scoped3A : memref<!tpu.dma_semaphore, #tpu.memory_space<semaphore_mem>>) src(%arg15 : memref<64x128xf32, #tpu.memory_space<vmem>>) dst(%dma_wait3A_93 : memref<64x128xf32, #tpu.memory_space<vmem_shared>>)
      tpu.yield
    }) : () -> ()
    %add3A_29 = arith.constant 64 : i32
    %add3A_30 = arith.addi %mul3A_26, %add3A_29 : i32
    "tpu.region"() ({
      %run_scoped3A = tpu.sem_alloc : memref<!tpu.dma_semaphore, #tpu.memory_space<semaphore_mem>>
      %dma_start3A_86 = arith.constant 0 : i32
      %dma_start3A_87 = tpu.memref_slice %arg17[%add3A_30, %dma_start3A_86] : memref<10000x128xf32, #tpu.memory_space<vmem_shared>> -> memref<64x128xf32, #tpu.memory_space<vmem_shared>>
      %dma_start3A_88 = arith.constant 0 : i32
      %dma_start3A_89 = tpu.memref_slice %arg17[%add3A_30, %dma_start3A_88] : memref<10000x128xf32, #tpu.memory_space<vmem_shared>> -> memref<64x128xf32, #tpu.memory_space<vmem_shared>>
      tpu.enqueue_dma source(%arg15 : memref<64x128xf32, #tpu.memory_space<vmem>>) target(%dma_start3A_89 : memref<64x128xf32, #tpu.memory_space<vmem_shared>>) target_semaphore(%run_scoped3A : memref<!tpu.dma_semaphore, #tpu.memory_space<semaphore_mem>>)
      %dma_wait3A_90 = arith.constant 0 : i32
      %dma_wait3A_91 = tpu.memref_slice %arg17[%add3A_30, %dma_wait3A_90] : memref<10000x128xf32, #tpu.memory_space<vmem_shared>> -> memref<64x128xf32, #tpu.memory_space<vmem_shared>>
      %dma_wait3A_92 = arith.constant 0 : i32
      %dma_wait3A_93 = tpu.memref_slice %arg17[%add3A_30, %dma_wait3A_92] : memref<10000x128xf32, #tpu.memory_space<vmem_shared>> -> memref<64x128xf32, #tpu.memory_space<vmem_shared>>
      tpu.wait_dma2 semaphore(%run_scoped3A : memref<!tpu.dma_semaphore, #tpu.memory_space<semaphore_mem>>) src(%arg15 : memref<64x128xf32, #tpu.memory_space<vmem>>) dst(%dma_wait3A_93 : memref<64x128xf32, #tpu.memory_space<vmem_shared>>)
      tpu.yield
    }) : () -> ()
    %add3A_31 = arith.constant 128 : i32
    %add3A_32 = arith.addi %mul3A_26, %add3A_31 : i32
    "tpu.region"() ({
      %run_scoped3A = tpu.sem_alloc : memref<!tpu.dma_semaphore, #tpu.memory_space<semaphore_mem>>
      %dma_start3A_86 = arith.constant 0 : i32
      %dma_start3A_87 = tpu.memref_slice %arg17[%add3A_32, %dma_start3A_86] : memref<10000x128xf32, #tpu.memory_space<vmem_shared>> -> memref<64x128xf32, #tpu.memory_space<vmem_shared>>
      %dma_start3A_88 = arith.constant 0 : i32
      %dma_start3A_89 = tpu.memref_slice %arg17[%add3A_32, %dma_start3A_88] : memref<10000x128xf32, #tpu.memory_space<vmem_shared>> -> memref<64x128xf32, #tpu.memory_space<vmem_shared>>
      tpu.enqueue_dma source(%arg15 : memref<64x128xf32, #tpu.memory_space<vmem>>) target(%dma_start3A_89 : memref<64x128xf32, #tpu.memory_space<vmem_shared>>) target_semaphore(%run_scoped3A : memref<!tpu.dma_semaphore, #tpu.memory_space<semaphore_mem>>)
      %dma_wait3A_90 = arith.constant 0 : i32
      %dma_wait3A_91 = tpu.memref_slice %arg17[%add3A_32, %dma_wait3A_90] : memref<10000x128xf32, #tpu.memory_space<vmem_shared>> -> memref<64x128xf32, #tpu.memory_space<vmem_shared>>
      %dma_wait3A_92 = arith.constant 0 : i32
      %dma_wait3A_93 = tpu.memref_slice %arg17[%add3A_32, %dma_wait3A_92] : memref<10000x128xf32, #tpu.memory_space<vmem_shared>> -> memref<64x128xf32, #tpu.memory_space<vmem_shared>>
      tpu.wait_dma2 semaphore(%run_scoped3A : memref<!tpu.dma_semaphore, #tpu.memory_space<semaphore_mem>>) src(%arg15 : memref<64x128xf32, #tpu.memory_space<vmem>>) dst(%dma_wait3A_93 : memref<64x128xf32, #tpu.memory_space<vmem_shared>>)
      tpu.yield
    }) : () -> ()
    %add3A_33 = arith.constant 192 : i32
    %add3A_34 = arith.addi %mul3A_26, %add3A_33 : i32
    "tpu.region"() ({
      %run_scoped3A = tpu.sem_alloc : memref<!tpu.dma_semaphore, #tpu.memory_space<semaphore_mem>>
      %dma_start3A_86 = arith.constant 0 : i32
      %dma_start3A_87 = tpu.memref_slice %arg17[%add3A_34, %dma_start3A_86] : memref<10000x128xf32, #tpu.memory_space<vmem_shared>> -> memref<64x128xf32, #tpu.memory_space<vmem_shared>>
      %dma_start3A_88 = arith.constant 0 : i32
      %dma_start3A_89 = tpu.memref_slice %arg17[%add3A_34, %dma_start3A_88] : memref<10000x128xf32, #tpu.memory_space<vmem_shared>> -> memref<64x128xf32, #tpu.memory_space<vmem_shared>>
      tpu.enqueue_dma source(%arg15 : memref<64x128xf32, #tpu.memory_space<vmem>>) target(%dma_start3A_89 : memref<64x128xf32, #tpu.memory_space<vmem_shared>>) target_semaphore(%run_scoped3A : memref<!tpu.dma_semaphore, #tpu.memory_space<semaphore_mem>>)
      %dma_wait3A_90 = arith.constant 0 : i32
      %dma_wait3A_91 = tpu.memref_slice %arg17[%add3A_34, %dma_wait3A_90] : memref<10000x128xf32, #tpu.memory_space<vmem_shared>> -> memref<64x128xf32, #tpu.memory_space<vmem_shared>>
      %dma_wait3A_92 = arith.constant 0 : i32
      %dma_wait3A_93 = tpu.memref_slice %arg17[%add3A_34, %dma_wait3A_92] : memref<10000x128xf32, #tpu.memory_space<vmem_shared>> -> memref<64x128xf32, #tpu.memory_space<vmem_shared>>
      tpu.wait_dma2 semaphore(%run_scoped3A : memref<!tpu.dma_semaphore, #tpu.memory_space<semaphore_mem>>) src(%arg15 : memref<64x128xf32, #tpu.memory_space<vmem>>) dst(%dma_wait3A_93 : memref<64x128xf32, #tpu.memory_space<vmem_shared>>)
      tpu.yield
    }) : () -> ()
    %add3A_35 = arith.constant 256 : i32
    %add3A_36 = arith.addi %mul3A_26, %add3A_35 : i32
    "tpu.region"() ({
      %run_scoped3A = tpu.sem_alloc : memref<!tpu.dma_semaphore, #tpu.memory_space<semaphore_mem>>
      %dma_start3A_86 = arith.constant 0 : i32
      %dma_start3A_87 = tpu.memref_slice %arg17[%add3A_36, %dma_start3A_86] : memref<10000x128xf32, #tpu.memory_space<vmem_shared>> -> memref<64x128xf32, #tpu.memory_space<vmem_shared>>
      %dma_start3A_88 = arith.constant 0 : i32
      %dma_start3A_89 = tpu.memref_slice %arg17[%add3A_36, %dma_start3A_88] : memref<10000x128xf32, #tpu.memory_space<vmem_shared>> -> memref<64x128xf32, #tpu.memory_space<vmem_shared>>
      tpu.enqueue_dma source(%arg15 : memref<64x128xf32, #tpu.memory_space<vmem>>) target(%dma_start3A_89 : memref<64x128xf32, #tpu.memory_space<vmem_shared>>) target_semaphore(%run_scoped3A : memref<!tpu.dma_semaphore, #tpu.memory_space<semaphore_mem>>)
      %dma_wait3A_90 = arith.constant 0 : i32
      %dma_wait3A_91 = tpu.memref_slice %arg17[%add3A_36, %dma_wait3A_90] : memref<10000x128xf32, #tpu.memory_space<vmem_shared>> -> memref<64x128xf32, #tpu.memory_space<vmem_shared>>
      %dma_wait3A_92 = arith.constant 0 : i32
      %dma_wait3A_93 = tpu.memref_slice %arg17[%add3A_36, %dma_wait3A_92] : memref<10000x128xf32, #tpu.memory_space<vmem_shared>> -> memref<64x128xf32, #tpu.memory_space<vmem_shared>>
      tpu.wait_dma2 semaphore(%run_scoped3A : memref<!tpu.dma_semaphore, #tpu.memory_space<semaphore_mem>>) src(%arg15 : memref<64x128xf32, #tpu.memory_space<vmem>>) dst(%dma_wait3A_93 : memref<64x128xf32, #tpu.memory_space<vmem_shared>>)
      tpu.yield
    }) : () -> ()
    %add3A_37 = arith.constant 320 : i32
    %add3A_38 = arith.addi %mul3A_26, %add3A_37 : i32
    "tpu.region"() ({
      %run_scoped3A = tpu.sem_alloc : memref<!tpu.dma_semaphore, #tpu.memory_space<semaphore_mem>>
      %dma_start3A_86 = arith.constant 0 : i32
      %dma_start3A_87 = tpu.memref_slice %arg17[%add3A_38, %dma_start3A_86] : memref<10000x128xf32, #tpu.memory_space<vmem_shared>> -> memref<64x128xf32, #tpu.memory_space<vmem_shared>>
      %dma_start3A_88 = arith.constant 0 : i32
      %dma_start3A_89 = tpu.memref_slice %arg17[%add3A_38, %dma_start3A_88] : memref<10000x128xf32, #tpu.memory_space<vmem_shared>> -> memref<64x128xf32, #tpu.memory_space<vmem_shared>>
      tpu.enqueue_dma source(%arg15 : memref<64x128xf32, #tpu.memory_space<vmem>>) target(%dma_start3A_89 : memref<64x128xf32, #tpu.memory_space<vmem_shared>>) target_semaphore(%run_scoped3A : memref<!tpu.dma_semaphore, #tpu.memory_space<semaphore_mem>>)
      %dma_wait3A_90 = arith.constant 0 : i32
      %dma_wait3A_91 = tpu.memref_slice %arg17[%add3A_38, %dma_wait3A_90] : memref<10000x128xf32, #tpu.memory_space<vmem_shared>> -> memref<64x128xf32, #tpu.memory_space<vmem_shared>>
      %dma_wait3A_92 = arith.constant 0 : i32
      %dma_wait3A_93 = tpu.memref_slice %arg17[%add3A_38, %dma_wait3A_92] : memref<10000x128xf32, #tpu.memory_space<vmem_shared>> -> memref<64x128xf32, #tpu.memory_space<vmem_shared>>
      tpu.wait_dma2 semaphore(%run_scoped3A : memref<!tpu.dma_semaphore, #tpu.memory_space<semaphore_mem>>) src(%arg15 : memref<64x128xf32, #tpu.memory_space<vmem>>) dst(%dma_wait3A_93 : memref<64x128xf32, #tpu.memory_space<vmem_shared>>)
      tpu.yield
    }) : () -> ()
    %add3A_39 = arith.constant 384 : i32
    %add3A_40 = arith.addi %mul3A_26, %add3A_39 : i32
    "tpu.region"() ({
      %run_scoped3A = tpu.sem_alloc : memref<!tpu.dma_semaphore, #tpu.memory_space<semaphore_mem>>
      %dma_start3A_86 = arith.constant 0 : i32
      %dma_start3A_87 = tpu.memref_slice %arg17[%add3A_40, %dma_start3A_86] : memref<10000x128xf32, #tpu.memory_space<vmem_shared>> -> memref<64x128xf32, #tpu.memory_space<vmem_shared>>
      %dma_start3A_88 = arith.constant 0 : i32
      %dma_start3A_89 = tpu.memref_slice %arg17[%add3A_40, %dma_start3A_88] : memref<10000x128xf32, #tpu.memory_space<vmem_shared>> -> memref<64x128xf32, #tpu.memory_space<vmem_shared>>
      tpu.enqueue_dma source(%arg15 : memref<64x128xf32, #tpu.memory_space<vmem>>) target(%dma_start3A_89 : memref<64x128xf32, #tpu.memory_space<vmem_shared>>) target_semaphore(%run_scoped3A : memref<!tpu.dma_semaphore, #tpu.memory_space<semaphore_mem>>)
      %dma_wait3A_90 = arith.constant 0 : i32
      %dma_wait3A_91 = tpu.memref_slice %arg17[%add3A_40, %dma_wait3A_90] : memref<10000x128xf32, #tpu.memory_space<vmem_shared>> -> memref<64x128xf32, #tpu.memory_space<vmem_shared>>
      %dma_wait3A_92 = arith.constant 0 : i32
      %dma_wait3A_93 = tpu.memref_slice %arg17[%add3A_40, %dma_wait3A_92] : memref<10000x128xf32, #tpu.memory_space<vmem_shared>> -> memref<64x128xf32, #tpu.memory_space<vmem_shared>>
      tpu.wait_dma2 semaphore(%run_scoped3A : memref<!tpu.dma_semaphore, #tpu.memory_space<semaphore_mem>>) src(%arg15 : memref<64x128xf32, #tpu.memory_space<vmem>>) dst(%dma_wait3A_93 : memref<64x128xf32, #tpu.memory_space<vmem_shared>>)
      tpu.yield
    }) : () -> ()
    %add3A_41 = arith.constant 448 : i32
    %add3A_42 = arith.addi %mul3A_26, %add3A_41 : i32
    "tpu.region"() ({
      %run_scoped3A = tpu.sem_alloc : memref<!tpu.dma_semaphore, #tpu.memory_space<semaphore_mem>>
      %dma_start3A_86 = arith.constant 0 : i32
      %dma_start3A_87 = tpu.memref_slice %arg17[%add3A_42, %dma_start3A_86] : memref<10000x128xf32, #tpu.memory_space<vmem_shared>> -> memref<64x128xf32, #tpu.memory_space<vmem_shared>>
      %dma_start3A_88 = arith.constant 0 : i32
      %dma_start3A_89 = tpu.memref_slice %arg17[%add3A_42, %dma_start3A_88] : memref<10000x128xf32, #tpu.memory_space<vmem_shared>> -> memref<64x128xf32, #tpu.memory_space<vmem_shared>>
      tpu.enqueue_dma source(%arg15 : memref<64x128xf32, #tpu.memory_space<vmem>>) target(%dma_start3A_89 : memref<64x128xf32, #tpu.memory_space<vmem_shared>>) target_semaphore(%run_scoped3A : memref<!tpu.dma_semaphore, #tpu.memory_space<semaphore_mem>>)
      %dma_wait3A_90 = arith.constant 0 : i32
      %dma_wait3A_91 = tpu.memref_slice %arg17[%add3A_42, %dma_wait3A_90] : memref<10000x128xf32, #tpu.memory_space<vmem_shared>> -> memref<64x128xf32, #tpu.memory_space<vmem_shared>>
      %dma_wait3A_92 = arith.constant 0 : i32
      %dma_wait3A_93 = tpu.memref_slice %arg17[%add3A_42, %dma_wait3A_92] : memref<10000x128xf32, #tpu.memory_space<vmem_shared>> -> memref<64x128xf32, #tpu.memory_space<vmem_shared>>
      tpu.wait_dma2 semaphore(%run_scoped3A : memref<!tpu.dma_semaphore, #tpu.memory_space<semaphore_mem>>) src(%arg15 : memref<64x128xf32, #tpu.memory_space<vmem>>) dst(%dma_wait3A_93 : memref<64x128xf32, #tpu.memory_space<vmem_shared>>)
      tpu.yield
    }) : () -> ()
    %add3A_43 = arith.constant 512 : i32
    %add3A_44 = arith.addi %mul3A_26, %add3A_43 : i32
    "tpu.region"() ({
      %run_scoped3A = tpu.sem_alloc : memref<!tpu.dma_semaphore, #tpu.memory_space<semaphore_mem>>
      %dma_start3A_86 = arith.constant 0 : i32
      %dma_start3A_87 = tpu.memref_slice %arg17[%add3A_44, %dma_start3A_86] : memref<10000x128xf32, #tpu.memory_space<vmem_shared>> -> memref<64x128xf32, #tpu.memory_space<vmem_shared>>
      %dma_start3A_88 = arith.constant 0 : i32
      %dma_start3A_89 = tpu.memref_slice %arg17[%add3A_44, %dma_start3A_88] : memref<10000x128xf32, #tpu.memory_space<vmem_shared>> -> memref<64x128xf32, #tpu.memory_space<vmem_shared>>
      tpu.enqueue_dma source(%arg15 : memref<64x128xf32, #tpu.memory_space<vmem>>) target(%dma_start3A_89 : memref<64x128xf32, #tpu.memory_space<vmem_shared>>) target_semaphore(%run_scoped3A : memref<!tpu.dma_semaphore, #tpu.memory_space<semaphore_mem>>)
      %dma_wait3A_90 = arith.constant 0 : i32
      %dma_wait3A_91 = tpu.memref_slice %arg17[%add3A_44, %dma_wait3A_90] : memref<10000x128xf32, #tpu.memory_space<vmem_shared>> -> memref<64x128xf32, #tpu.memory_space<vmem_shared>>
      %dma_wait3A_92 = arith.constant 0 : i32
      %dma_wait3A_93 = tpu.memref_slice %arg17[%add3A_44, %dma_wait3A_92] : memref<10000x128xf32, #tpu.memory_space<vmem_shared>> -> memref<64x128xf32, #tpu.memory_space<vmem_shared>>
      tpu.wait_dma2 semaphore(%run_scoped3A : memref<!tpu.dma_semaphore, #tpu.memory_space<semaphore_mem>>) src(%arg15 : memref<64x128xf32, #tpu.memory_space<vmem>>) dst(%dma_wait3A_93 : memref<64x128xf32, #tpu.memory_space<vmem_shared>>)
      tpu.yield
    }) : () -> ()
    %add3A_45 = arith.constant 576 : i32
    %add3A_46 = arith.addi %mul3A_26, %add3A_45 : i32
    "tpu.region"() ({
      %run_scoped3A = tpu.sem_alloc : memref<!tpu.dma_semaphore, #tpu.memory_space<semaphore_mem>>
      %dma_start3A_86 = arith.constant 0 : i32
      %dma_start3A_87 = arith.constant 0 : i32
      %dma_start3A_88 = tpu.memref_slice %arg15[%dma_start3A_86, %dma_start3A_87] : memref<64x128xf32, #tpu.memory_space<vmem>> -> memref<48x128xf32, #tpu.memory_space<vmem>>
      %dma_start3A_89 = arith.constant 0 : i32
      %dma_start3A_90 = tpu.memref_slice %arg17[%add3A_46, %dma_start3A_89] : memref<10000x128xf32, #tpu.memory_space<vmem_shared>> -> memref<48x128xf32, #tpu.memory_space<vmem_shared>>
      %dma_start3A_91 = arith.constant 0 : i32
      %dma_start3A_92 = tpu.memref_slice %arg17[%add3A_46, %dma_start3A_91] : memref<10000x128xf32, #tpu.memory_space<vmem_shared>> -> memref<48x128xf32, #tpu.memory_space<vmem_shared>>
      %dma_start3A_93 = arith.constant 0 : i32
      %dma_start3A_94 = arith.constant 0 : i32
      %dma_start3A_95 = tpu.memref_slice %arg15[%dma_start3A_93, %dma_start3A_94] : memref<64x128xf32, #tpu.memory_space<vmem>> -> memref<48x128xf32, #tpu.memory_space<vmem>>
      tpu.enqueue_dma source(%dma_start3A_95 : memref<48x128xf32, #tpu.memory_space<vmem>>) target(%dma_start3A_92 : memref<48x128xf32, #tpu.memory_space<vmem_shared>>) target_semaphore(%run_scoped3A : memref<!tpu.dma_semaphore, #tpu.memory_space<semaphore_mem>>)
      %dma_wait3A_96 = arith.constant 0 : i32
      %dma_wait3A_97 = arith.constant 0 : i32
      %dma_wait3A_98 = tpu.memref_slice %arg15[%dma_wait3A_96, %dma_wait3A_97] : memref<64x128xf32, #tpu.memory_space<vmem>> -> memref<48x128xf32, #tpu.memory_space<vmem>>
      %dma_wait3A_99 = arith.constant 0 : i32
      %dma_wait3A_100 = tpu.memref_slice %arg17[%add3A_46, %dma_wait3A_99] : memref<10000x128xf32, #tpu.memory_space<vmem_shared>> -> memref<48x128xf32, #tpu.memory_space<vmem_shared>>
      %dma_wait3A_101 = arith.constant 0 : i32
      %dma_wait3A_102 = tpu.memref_slice %arg17[%add3A_46, %dma_wait3A_101] : memref<10000x128xf32, #tpu.memory_space<vmem_shared>> -> memref<48x128xf32, #tpu.memory_space<vmem_shared>>
      %dma_wait3A_103 = arith.constant 0 : i32
      %dma_wait3A_104 = arith.constant 0 : i32
      %dma_wait3A_105 = tpu.memref_slice %arg15[%dma_wait3A_103, %dma_wait3A_104] : memref<64x128xf32, #tpu.memory_space<vmem>> -> memref<48x128xf32, #tpu.memory_space<vmem>>
      tpu.wait_dma2 semaphore(%run_scoped3A : memref<!tpu.dma_semaphore, #tpu.memory_space<semaphore_mem>>) src(%dma_wait3A_105 : memref<48x128xf32, #tpu.memory_space<vmem>>) dst(%dma_wait3A_102 : memref<48x128xf32, #tpu.memory_space<vmem_shared>>)
      tpu.yield
    }) : () -> ()
    %eq3A = arith.constant 15 : i32
    %eq3A_47 = arith.cmpi eq, %arg1, %eq3A : i32
    %convert_element_type3A = arith.extui %eq3A_47 : i1 to i32
    %cond3A = arith.constant 0 : i32
    %cond3A_48 = arith.cmpi ne, %convert_element_type3A, %cond3A : i32
    scf.if %cond3A_48 {
      "tpu.region"() ({
        %run_scoped3A = tpu.sem_alloc : memref<!tpu.dma_semaphore, #tpu.memory_space<semaphore_mem>>
        %dma_start3A_86 = arith.constant 0 : i32
        %dma_start3A_87 = arith.constant 0 : i32
        %dma_start3A_88 = tpu.memref_slice %arg15[%dma_start3A_86, %dma_start3A_87] : memref<64x128xf32, #tpu.memory_space<vmem>> -> memref<16x128xf32, #tpu.memory_space<vmem>>
        %dma_start3A_89 = arith.constant 9984 : i32
        %dma_start3A_90 = arith.constant 0 : i32
        %dma_start3A_91 = tpu.memref_slice %arg17[%dma_start3A_89, %dma_start3A_90] : memref<10000x128xf32, #tpu.memory_space<vmem_shared>> -> memref<16x128xf32, #tpu.memory_space<vmem_shared>>
        %dma_start3A_92 = arith.constant 9984 : i32
        %dma_start3A_93 = arith.constant 0 : i32
        %dma_start3A_94 = tpu.memref_slice %arg17[%dma_start3A_92, %dma_start3A_93] : memref<10000x128xf32, #tpu.memory_space<vmem_shared>> -> memref<16x128xf32, #tpu.memory_space<vmem_shared>>
        %dma_start3A_95 = arith.constant 0 : i32
        %dma_start3A_96 = arith.constant 0 : i32
        %dma_start3A_97 = tpu.memref_slice %arg15[%dma_start3A_95, %dma_start3A_96] : memref<64x128xf32, #tpu.memory_space<vmem>> -> memref<16x128xf32, #tpu.memory_space<vmem>>
        tpu.enqueue_dma source(%dma_start3A_97 : memref<16x128xf32, #tpu.memory_space<vmem>>) target(%dma_start3A_94 : memref<16x128xf32, #tpu.memory_space<vmem_shared>>) target_semaphore(%run_scoped3A : memref<!tpu.dma_semaphore, #tpu.memory_space<semaphore_mem>>)
        %dma_wait3A_98 = arith.constant 0 : i32
        %dma_wait3A_99 = arith.constant 0 : i32
        %dma_wait3A_100 = tpu.memref_slice %arg15[%dma_wait3A_98, %dma_wait3A_99] : memref<64x128xf32, #tpu.memory_space<vmem>> -> memref<16x128xf32, #tpu.memory_space<vmem>>
        %dma_wait3A_101 = arith.constant 9984 : i32
        %dma_wait3A_102 = arith.constant 0 : i32
        %dma_wait3A_103 = tpu.memref_slice %arg17[%dma_wait3A_101, %dma_wait3A_102] : memref<10000x128xf32, #tpu.memory_space<vmem_shared>> -> memref<16x128xf32, #tpu.memory_space<vmem_shared>>
        %dma_wait3A_104 = arith.constant 9984 : i32
        %dma_wait3A_105 = arith.constant 0 : i32
        %dma_wait3A_106 = tpu.memref_slice %arg17[%dma_wait3A_104, %dma_wait3A_105] : memref<10000x128xf32, #tpu.memory_space<vmem_shared>> -> memref<16x128xf32, #tpu.memory_space<vmem_shared>>
        %dma_wait3A_107 = arith.constant 0 : i32
        %dma_wait3A_108 = arith.constant 0 : i32
        %dma_wait3A_109 = tpu.memref_slice %arg15[%dma_wait3A_107, %dma_wait3A_108] : memref<64x128xf32, #tpu.memory_space<vmem>> -> memref<16x128xf32, #tpu.memory_space<vmem>>
        tpu.wait_dma2 semaphore(%run_scoped3A : memref<!tpu.dma_semaphore, #tpu.memory_space<semaphore_mem>>) src(%dma_wait3A_109 : memref<16x128xf32, #tpu.memory_space<vmem>>) dst(%dma_wait3A_106 : memref<16x128xf32, #tpu.memory_space<vmem_shared>>)
        tpu.yield
      }) : () -> ()
    } else {
    }
    %barrier3A = arith.constant 0 : index
    tpu.barrier barrier_id(%barrier3A)
    %dma_wait3A = arith.constant 0 : i32
    %dma_wait3A_49 = tpu.memref_slice %arg3[%dma_wait3A] : memref<327680xi32, #tpu.memory_space<hbm>> -> memref<64xi32, #tpu.memory_space<hbm>>
    %dma_wait3A_50 = arith.constant 0 : i32
    %dma_wait3A_51 = tpu.memref_slice %arg3[%dma_wait3A_50] : memref<327680xi32, #tpu.memory_space<hbm>> -> memref<64xi32, #tpu.memory_space<hbm>>
    tpu.wait_dma2 semaphore(%arg22 : memref<!tpu.dma_semaphore, #tpu.memory_space<semaphore_mem>>) src(%dma_wait3A_51 : memref<64xi32, #tpu.memory_space<hbm>>) dst(%arg7 : memref<64xi32, #tpu.memory_space<vmem>>)
    %dma_wait3A_52 = arith.constant 0 : i32
    %dma_wait3A_53 = tpu.memref_slice %arg4[%dma_wait3A_52] : memref<327680xi32, #tpu.memory_space<hbm>> -> memref<64xi32, #tpu.memory_space<hbm>>
    %dma_wait3A_54 = arith.constant 0 : i32
    %dma_wait3A_55 = tpu.memref_slice %arg4[%dma_wait3A_54] : memref<327680xi32, #tpu.memory_space<hbm>> -> memref<64xi32, #tpu.memory_space<hbm>>
    tpu.wait_dma2 semaphore(%arg22 : memref<!tpu.dma_semaphore, #tpu.memory_space<semaphore_mem>>) src(%dma_wait3A_55 : memref<64xi32, #tpu.memory_space<hbm>>) dst(%arg9 : memref<64xi32, #tpu.memory_space<vmem>>)
    %dma_start3A_56 = arith.constant 0 : i32
    %dma_start3A_57 = arith.constant 0 : i32
    %dma_start3A_58 = tpu.memref_slice %arg2[%dma_start3A_56, %dma_start3A_57] : memref<10000x128xf32, #tpu.memory_space<hbm>> -> memref<10000x128xf32, #tpu.memory_space<hbm>>
    tpu.enqueue_indirect_dma source(%dma_start3A_58 : memref<10000x128xf32, #tpu.memory_space<hbm>>) target(%arg13 : memref<64x128xf32, #tpu.memory_space<vmem>>) offsets(%arg7 : memref<64xi32, #tpu.memory_space<vmem>>) semaphore(%arg18 : memref<!tpu.dma_semaphore, #tpu.memory_space<semaphore_mem>>)
    %mul3A_59 = arith.constant 64 : i32
    %mul3A_60 = arith.muli %mul3A_2, %mul3A_59 : i32
    %dma_start3A_61 = arith.constant 0 : i32
    %dma_start3A_62 = tpu.memref_slice %arg5[%mul3A_60, %dma_start3A_61] : memref<327680x128xf32, #tpu.memory_space<hbm>> -> memref<64x128xf32, #tpu.memory_space<hbm>>
    %dma_start3A_63 = arith.constant 0 : i32
    %dma_start3A_64 = tpu.memref_slice %arg5[%mul3A_60, %dma_start3A_63] : memref<327680x128xf32, #tpu.memory_space<hbm>> -> memref<64x128xf32, #tpu.memory_space<hbm>>
    tpu.enqueue_dma source(%dma_start3A_64 : memref<64x128xf32, #tpu.memory_space<hbm>>) target(%arg15 : memref<64x128xf32, #tpu.memory_space<vmem>>) target_semaphore(%arg20 : memref<!tpu.dma_semaphore, #tpu.memory_space<semaphore_mem>>)
    %scan3A_65 = arith.constant 0 : i32
    %scan3A_66 = arith.constant 0 : i32
    %scan3A_67 = arith.constant 40 : i32
    %scan3A_68 = arith.addi %scan3A_66, %scan3A_67 : i32
    %scan3A_69 = arith.constant 1 : i32
    scf.for %scan3A_86 = %scan3A_66 to %scan3A_68 step %scan3A_69  : i32 {
      %mul3A_87 = arith.constant 4 : i32
      %mul3A_88 = arith.muli %mul3A_87, %scan3A_86 : i32
      %add3A_89 = arith.constant 0 : i32
      %add3A_90 = arith.addi %mul3A_88, %add3A_89 : i32
      %add3A_91 = arith.addi %mul3A_2, %add3A_90 : i32
      %add3A_92 = arith.constant 1 : i32
      %add3A_93 = arith.addi %add3A_90, %add3A_92 : i32
      %lt3A = arith.constant 160 : i32
      %lt3A_94 = arith.cmpi slt, %add3A_93, %lt3A : i32
      %convert_element_type3A_95 = arith.extui %lt3A_94 : i1 to i32
      %cond3A_96 = arith.constant 0 : i32
      %cond3A_97 = arith.cmpi ne, %convert_element_type3A_95, %cond3A_96 : i32
      scf.if %cond3A_97 {
        %dma_wait3A_234 = arith.constant 0 : i32
        %dma_wait3A_235 = tpu.memref_slice %arg3[%dma_wait3A_234] : memref<327680xi32, #tpu.memory_space<hbm>> -> memref<64xi32, #tpu.memory_space<hbm>>
        %dma_wait3A_236 = arith.constant 0 : i32
        %dma_wait3A_237 = tpu.memref_slice %arg3[%dma_wait3A_236] : memref<327680xi32, #tpu.memory_space<hbm>> -> memref<64xi32, #tpu.memory_space<hbm>>
        tpu.wait_dma2 semaphore(%arg23 : memref<!tpu.dma_semaphore, #tpu.memory_space<semaphore_mem>>) src(%dma_wait3A_237 : memref<64xi32, #tpu.memory_space<hbm>>) dst(%arg8 : memref<64xi32, #tpu.memory_space<vmem>>)
        %dma_wait3A_238 = arith.constant 0 : i32
        %dma_wait3A_239 = tpu.memref_slice %arg4[%dma_wait3A_238] : memref<327680xi32, #tpu.memory_space<hbm>> -> memref<64xi32, #tpu.memory_space<hbm>>
        %dma_wait3A_240 = arith.constant 0 : i32
        %dma_wait3A_241 = tpu.memref_slice %arg4[%dma_wait3A_240] : memref<327680xi32, #tpu.memory_space<hbm>> -> memref<64xi32, #tpu.memory_space<hbm>>
        tpu.wait_dma2 semaphore(%arg23 : memref<!tpu.dma_semaphore, #tpu.memory_space<semaphore_mem>>) src(%dma_wait3A_241 : memref<64xi32, #tpu.memory_space<hbm>>) dst(%arg10 : memref<64xi32, #tpu.memory_space<vmem>>)
        %ge3A = arith.constant 1 : i32
        %ge3A_242 = arith.cmpi sge, %add3A_90, %ge3A : i32
        %convert_element_type3A_243 = arith.extui %ge3A_242 : i1 to i32
        %cond3A_244 = arith.constant 0 : i32
        %cond3A_245 = arith.cmpi ne, %convert_element_type3A_243, %cond3A_244 : i32
        scf.if %cond3A_245 {
          %dma_wait3A_257 = arith.constant 0 : i32
          %dma_wait3A_258 = arith.constant 0 : i32
          %dma_wait3A_259 = tpu.memref_slice %arg17[%dma_wait3A_257, %dma_wait3A_258] : memref<10000x128xf32, #tpu.memory_space<vmem_shared>> -> memref<10000x128xf32, #tpu.memory_space<vmem_shared>>
          tpu.wait_indirect_dma semaphore(%arg25 : memref<!tpu.dma_semaphore, #tpu.memory_space<semaphore_mem>>) src(%arg14 : memref<64x128xf32, #tpu.memory_space<vmem>>) dst(%dma_wait3A_259 : memref<10000x128xf32, #tpu.memory_space<vmem_shared>>)
        } else {
        }
        %dma_start3A_246 = arith.constant 0 : i32
        %dma_start3A_247 = arith.constant 0 : i32
        %dma_start3A_248 = tpu.memref_slice %arg2[%dma_start3A_246, %dma_start3A_247] : memref<10000x128xf32, #tpu.memory_space<hbm>> -> memref<10000x128xf32, #tpu.memory_space<hbm>>
        tpu.enqueue_indirect_dma source(%dma_start3A_248 : memref<10000x128xf32, #tpu.memory_space<hbm>>) target(%arg14 : memref<64x128xf32, #tpu.memory_space<vmem>>) offsets(%arg8 : memref<64xi32, #tpu.memory_space<vmem>>) semaphore(%arg19 : memref<!tpu.dma_semaphore, #tpu.memory_space<semaphore_mem>>)
        %add3A_249 = arith.constant 1 : i32
        %add3A_250 = arith.addi %add3A_91, %add3A_249 : i32
        %mul3A_251 = arith.constant 64 : i32
        %mul3A_252 = arith.muli %add3A_250, %mul3A_251 : i32
        %dma_start3A_253 = arith.constant 0 : i32
        %dma_start3A_254 = tpu.memref_slice %arg5[%mul3A_252, %dma_start3A_253] : memref<327680x128xf32, #tpu.memory_space<hbm>> -> memref<64x128xf32, #tpu.memory_space<hbm>>
        %dma_start3A_255 = arith.constant 0 : i32
        %dma_start3A_256 = tpu.memref_slice %arg5[%mul3A_252, %dma_start3A_255] : memref<327680x128xf32, #tpu.memory_space<hbm>> -> memref<64x128xf32, #tpu.memory_space<hbm>>
        tpu.enqueue_dma source(%dma_start3A_256 : memref<64x128xf32, #tpu.memory_space<hbm>>) target(%arg16 : memref<64x128xf32, #tpu.memory_space<vmem>>) target_semaphore(%arg21 : memref<!tpu.dma_semaphore, #tpu.memory_space<semaphore_mem>>)
      } else {
      }
      %dma_wait3A_98 = arith.constant 0 : i32
      %dma_wait3A_99 = arith.constant 0 : i32
      %dma_wait3A_100 = tpu.memref_slice %arg2[%dma_wait3A_98, %dma_wait3A_99] : memref<10000x128xf32, #tpu.memory_space<hbm>> -> memref<10000x128xf32, #tpu.memory_space<hbm>>
      tpu.wait_indirect_dma semaphore(%arg18 : memref<!tpu.dma_semaphore, #tpu.memory_space<semaphore_mem>>) src(%dma_wait3A_100 : memref<10000x128xf32, #tpu.memory_space<hbm>>) dst(%arg13 : memref<64x128xf32, #tpu.memory_space<vmem>>)
      %dma_wait3A_101 = arith.constant 0 : i32
      %dma_wait3A_102 = arith.constant 0 : i32
      %dma_wait3A_103 = tpu.memref_slice %arg5[%dma_wait3A_101, %dma_wait3A_102] : memref<327680x128xf32, #tpu.memory_space<hbm>> -> memref<64x128xf32, #tpu.memory_space<hbm>>
      %dma_wait3A_104 = arith.constant 0 : i32
      %dma_wait3A_105 = arith.constant 0 : i32
      %dma_wait3A_106 = tpu.memref_slice %arg5[%dma_wait3A_104, %dma_wait3A_105] : memref<327680x128xf32, #tpu.memory_space<hbm>> -> memref<64x128xf32, #tpu.memory_space<hbm>>
      tpu.wait_dma2 semaphore(%arg20 : memref<!tpu.dma_semaphore, #tpu.memory_space<semaphore_mem>>) src(%dma_wait3A_106 : memref<64x128xf32, #tpu.memory_space<hbm>>) dst(%arg15 : memref<64x128xf32, #tpu.memory_space<vmem>>)
      %add3A_107 = arith.constant 2 : i32
      %add3A_108 = arith.addi %add3A_90, %add3A_107 : i32
      %lt3A_109 = arith.constant 160 : i32
      %lt3A_110 = arith.cmpi slt, %add3A_108, %lt3A_109 : i32
      %convert_element_type3A_111 = arith.extui %lt3A_110 : i1 to i32
      %cond3A_112 = arith.constant 0 : i32
      %cond3A_113 = arith.cmpi ne, %convert_element_type3A_111, %cond3A_112 : i32
      scf.if %cond3A_113 {
        %add3A_234 = arith.constant 2 : i32
        %add3A_235 = arith.addi %add3A_91, %add3A_234 : i32
        %mul3A_236 = arith.constant 64 : i32
        %mul3A_237 = arith.muli %add3A_235, %mul3A_236 : i32
        %dma_start3A_238 = tpu.memref_slice %arg3[%mul3A_237] : memref<327680xi32, #tpu.memory_space<hbm>> -> memref<64xi32, #tpu.memory_space<hbm>>
        %dma_start3A_239 = tpu.memref_slice %arg3[%mul3A_237] : memref<327680xi32, #tpu.memory_space<hbm>> -> memref<64xi32, #tpu.memory_space<hbm>>
        tpu.enqueue_dma source(%dma_start3A_239 : memref<64xi32, #tpu.memory_space<hbm>>) target(%arg7 : memref<64xi32, #tpu.memory_space<vmem>>) target_semaphore(%arg22 : memref<!tpu.dma_semaphore, #tpu.memory_space<semaphore_mem>>)
        %mul3A_240 = arith.constant 64 : i32
        %mul3A_241 = arith.muli %add3A_235, %mul3A_240 : i32
        %dma_start3A_242 = tpu.memref_slice %arg4[%mul3A_241] : memref<327680xi32, #tpu.memory_space<hbm>> -> memref<64xi32, #tpu.memory_space<hbm>>
        %dma_start3A_243 = tpu.memref_slice %arg4[%mul3A_241] : memref<327680xi32, #tpu.memory_space<hbm>> -> memref<64xi32, #tpu.memory_space<hbm>>
        tpu.enqueue_dma source(%dma_start3A_243 : memref<64xi32, #tpu.memory_space<hbm>>) target(%arg11 : memref<64xi32, #tpu.memory_space<vmem>>) target_semaphore(%arg22 : memref<!tpu.dma_semaphore, #tpu.memory_space<semaphore_mem>>)
      } else {
      }
      %scan3A_114 = arith.constant 0 : i32
      %scan3A_115 = arith.constant 0 : i32
      %scan3A_116 = arith.constant 64 : i32
      %scan3A_117 = arith.addi %scan3A_115, %scan3A_116 : i32
      %scan3A_118 = arith.constant 1 : i32
      scf.for %scan3A_234 = %scan3A_115 to %scan3A_117 step %scan3A_118  : i32 {
        %get3A = arith.index_cast %scan3A_234 : i32 to index
        %get3A_235 = arith.constant 0 : index
        %get3A_236 = tpu.vector_load %arg13[%get3A, %get3A_235] {strides = array<i32>} : memref<64x128xf32, #tpu.memory_space<vmem>>, vector<1x16xf32>,
        %get3A_237 = vector.shape_cast %get3A_236 : vector<1x16xf32> to vector<16xf32>
        %get3A_238 = arith.index_cast %scan3A_234 : i32 to index
        %get3A_239 = arith.constant 0 : index
        %get3A_240 = tpu.vector_load %arg15[%get3A_238, %get3A_239] {strides = array<i32>} : memref<64x128xf32, #tpu.memory_space<vmem>>, vector<1x16xf32>,
        %get3A_241 = vector.shape_cast %get3A_240 : vector<1x16xf32> to vector<16xf32>
        %mul3A_242 = arith.mulf %get3A_237, %get3A_241 : vector<16xf32>
        %swap3A = arith.index_cast %scan3A_234 : i32 to index
        %swap3A_243 = arith.constant 0 : index
        %swap3A_244 = tpu.vector_load %arg13[%swap3A, %swap3A_243] {strides = array<i32>} : memref<64x128xf32, #tpu.memory_space<vmem>>, vector<1x16xf32>,
        %swap3A_245 = vector.shape_cast %swap3A_244 : vector<1x16xf32> to vector<16xf32>
        %swap3A_246 = vector.shape_cast %mul3A_242 : vector<16xf32> to vector<1x16xf32>
        tpu.vector_store %arg13[%swap3A, %swap3A_243], %swap3A_246 {strides = array<i32>} : memref<64x128xf32, #tpu.memory_space<vmem>>, vector<1x16xf32>,
        %get3A_247 = arith.index_cast %scan3A_234 : i32 to index
        %get3A_248 = arith.constant 16 : index
        %get3A_249 = tpu.vector_load %arg13[%get3A_247, %get3A_248] {strides = array<i32>} : memref<64x128xf32, #tpu.memory_space<vmem>>, vector<1x16xf32>,
        %get3A_250 = vector.shape_cast %get3A_249 : vector<1x16xf32> to vector<16xf32>
        %get3A_251 = arith.index_cast %scan3A_234 : i32 to index
        %get3A_252 = arith.constant 16 : index
        %get3A_253 = tpu.vector_load %arg15[%get3A_251, %get3A_252] {strides = array<i32>} : memref<64x128xf32, #tpu.memory_space<vmem>>, vector<1x16xf32>,
        %get3A_254 = vector.shape_cast %get3A_253 : vector<1x16xf32> to vector<16xf32>
        %mul3A_255 = arith.mulf %get3A_250, %get3A_254 : vector<16xf32>
        %swap3A_256 = arith.index_cast %scan3A_234 : i32 to index
        %swap3A_257 = arith.constant 16 : index
        %swap3A_258 = tpu.vector_load %arg13[%swap3A_256, %swap3A_257] {strides = array<i32>} : memref<64x128xf32, #tpu.memory_space<vmem>>, vector<1x16xf32>,
        %swap3A_259 = vector.shape_cast %swap3A_258 : vector<1x16xf32> to vector<16xf32>
        %swap3A_260 = vector.shape_cast %mul3A_255 : vector<16xf32> to vector<1x16xf32>
        tpu.vector_store %arg13[%swap3A_256, %swap3A_257], %swap3A_260 {strides = array<i32>} : memref<64x128xf32, #tpu.memory_space<vmem>>, vector<1x16xf32>,
        %get3A_261 = arith.index_cast %scan3A_234 : i32 to index
        %get3A_262 = arith.constant 32 : index
        %get3A_263 = tpu.vector_load %arg13[%get3A_261, %get3A_262] {strides = array<i32>} : memref<64x128xf32, #tpu.memory_space<vmem>>, vector<1x16xf32>,
        %get3A_264 = vector.shape_cast %get3A_263 : vector<1x16xf32> to vector<16xf32>
        %get3A_265 = arith.index_cast %scan3A_234 : i32 to index
        %get3A_266 = arith.constant 32 : index
        %get3A_267 = tpu.vector_load %arg15[%get3A_265, %get3A_266] {strides = array<i32>} : memref<64x128xf32, #tpu.memory_space<vmem>>, vector<1x16xf32>,
        %get3A_268 = vector.shape_cast %get3A_267 : vector<1x16xf32> to vector<16xf32>
        %mul3A_269 = arith.mulf %get3A_264, %get3A_268 : vector<16xf32>
        %swap3A_270 = arith.index_cast %scan3A_234 : i32 to index
        %swap3A_271 = arith.constant 32 : index
        %swap3A_272 = tpu.vector_load %arg13[%swap3A_270, %swap3A_271] {strides = array<i32>} : memref<64x128xf32, #tpu.memory_space<vmem>>, vector<1x16xf32>,
        %swap3A_273 = vector.shape_cast %swap3A_272 : vector<1x16xf32> to vector<16xf32>
        %swap3A_274 = vector.shape_cast %mul3A_269 : vector<16xf32> to vector<1x16xf32>
        tpu.vector_store %arg13[%swap3A_270, %swap3A_271], %swap3A_274 {strides = array<i32>} : memref<64x128xf32, #tpu.memory_space<vmem>>, vector<1x16xf32>,
        %get3A_275 = arith.index_cast %scan3A_234 : i32 to index
        %get3A_276 = arith.constant 48 : index
        %get3A_277 = tpu.vector_load %arg13[%get3A_275, %get3A_276] {strides = array<i32>} : memref<64x128xf32, #tpu.memory_space<vmem>>, vector<1x16xf32>,
        %get3A_278 = vector.shape_cast %get3A_277 : vector<1x16xf32> to vector<16xf32>
        %get3A_279 = arith.index_cast %scan3A_234 : i32 to index
        %get3A_280 = arith.constant 48 : index
        %get3A_281 = tpu.vector_load %arg15[%get3A_279, %get3A_280] {strides = array<i32>} : memref<64x128xf32, #tpu.memory_space<vmem>>, vector<1x16xf32>,
        %get3A_282 = vector.shape_cast %get3A_281 : vector<1x16xf32> to vector<16xf32>
        %mul3A_283 = arith.mulf %get3A_278, %get3A_282 : vector<16xf32>
        %swap3A_284 = arith.index_cast %scan3A_234 : i32 to index
        %swap3A_285 = arith.constant 48 : index
        %swap3A_286 = tpu.vector_load %arg13[%swap3A_284, %swap3A_285] {strides = array<i32>} : memref<64x128xf32, #tpu.memory_space<vmem>>, vector<1x16xf32>,
        %swap3A_287 = vector.shape_cast %swap3A_286 : vector<1x16xf32> to vector<16xf32>
        %swap3A_288 = vector.shape_cast %mul3A_283 : vector<16xf32> to vector<1x16xf32>
        tpu.vector_store %arg13[%swap3A_284, %swap3A_285], %swap3A_288 {strides = array<i32>} : memref<64x128xf32, #tpu.memory_space<vmem>>, vector<1x16xf32>,
        %get3A_289 = arith.index_cast %scan3A_234 : i32 to index
        %get3A_290 = arith.constant 64 : index
        %get3A_291 = tpu.vector_load %arg13[%get3A_289, %get3A_290] {strides = array<i32>} : memref<64x128xf32, #tpu.memory_space<vmem>>, vector<1x16xf32>,
        %get3A_292 = vector.shape_cast %get3A_291 : vector<1x16xf32> to vector<16xf32>
        %get3A_293 = arith.index_cast %scan3A_234 : i32 to index
        %get3A_294 = arith.constant 64 : index
        %get3A_295 = tpu.vector_load %arg15[%get3A_293, %get3A_294] {strides = array<i32>} : memref<64x128xf32, #tpu.memory_space<vmem>>, vector<1x16xf32>,
        %get3A_296 = vector.shape_cast %get3A_295 : vector<1x16xf32> to vector<16xf32>
        %mul3A_297 = arith.mulf %get3A_292, %get3A_296 : vector<16xf32>
        %swap3A_298 = arith.index_cast %scan3A_234 : i32 to index
        %swap3A_299 = arith.constant 64 : index
        %swap3A_300 = tpu.vector_load %arg13[%swap3A_298, %swap3A_299] {strides = array<i32>} : memref<64x128xf32, #tpu.memory_space<vmem>>, vector<1x16xf32>,
        %swap3A_301 = vector.shape_cast %swap3A_300 : vector<1x16xf32> to vector<16xf32>
        %swap3A_302 = vector.shape_cast %mul3A_297 : vector<16xf32> to vector<1x16xf32>
        tpu.vector_store %arg13[%swap3A_298, %swap3A_299], %swap3A_302 {strides = array<i32>} : memref<64x128xf32, #tpu.memory_space<vmem>>, vector<1x16xf32>,
        %get3A_303 = arith.index_cast %scan3A_234 : i32 to index
        %get3A_304 = arith.constant 80 : index
        %get3A_305 = tpu.vector_load %arg13[%get3A_303, %get3A_304] {strides = array<i32>} : memref<64x128xf32, #tpu.memory_space<vmem>>, vector<1x16xf32>,
        %get3A_306 = vector.shape_cast %get3A_305 : vector<1x16xf32> to vector<16xf32>
        %get3A_307 = arith.index_cast %scan3A_234 : i32 to index
        %get3A_308 = arith.constant 80 : index
        %get3A_309 = tpu.vector_load %arg15[%get3A_307, %get3A_308] {strides = array<i32>} : memref<64x128xf32, #tpu.memory_space<vmem>>, vector<1x16xf32>,
        %get3A_310 = vector.shape_cast %get3A_309 : vector<1x16xf32> to vector<16xf32>
        %mul3A_311 = arith.mulf %get3A_306, %get3A_310 : vector<16xf32>
        %swap3A_312 = arith.index_cast %scan3A_234 : i32 to index
        %swap3A_313 = arith.constant 80 : index
        %swap3A_314 = tpu.vector_load %arg13[%swap3A_312, %swap3A_313] {strides = array<i32>} : memref<64x128xf32, #tpu.memory_space<vmem>>, vector<1x16xf32>,
        %swap3A_315 = vector.shape_cast %swap3A_314 : vector<1x16xf32> to vector<16xf32>
        %swap3A_316 = vector.shape_cast %mul3A_311 : vector<16xf32> to vector<1x16xf32>
        tpu.vector_store %arg13[%swap3A_312, %swap3A_313], %swap3A_316 {strides = array<i32>} : memref<64x128xf32, #tpu.memory_space<vmem>>, vector<1x16xf32>,
        %get3A_317 = arith.index_cast %scan3A_234 : i32 to index
        %get3A_318 = arith.constant 96 : index
        %get3A_319 = tpu.vector_load %arg13[%get3A_317, %get3A_318] {strides = array<i32>} : memref<64x128xf32, #tpu.memory_space<vmem>>, vector<1x16xf32>,
        %get3A_320 = vector.shape_cast %get3A_319 : vector<1x16xf32> to vector<16xf32>
        %get3A_321 = arith.index_cast %scan3A_234 : i32 to index
        %get3A_322 = arith.constant 96 : index
        %get3A_323 = tpu.vector_load %arg15[%get3A_321, %get3A_322] {strides = array<i32>} : memref<64x128xf32, #tpu.memory_space<vmem>>, vector<1x16xf32>,
        %get3A_324 = vector.shape_cast %get3A_323 : vector<1x16xf32> to vector<16xf32>
        %mul3A_325 = arith.mulf %get3A_320, %get3A_324 : vector<16xf32>
        %swap3A_326 = arith.index_cast %scan3A_234 : i32 to index
        %swap3A_327 = arith.constant 96 : index
        %swap3A_328 = tpu.vector_load %arg13[%swap3A_326, %swap3A_327] {strides = array<i32>} : memref<64x128xf32, #tpu.memory_space<vmem>>, vector<1x16xf32>,
        %swap3A_329 = vector.shape_cast %swap3A_328 : vector<1x16xf32> to vector<16xf32>
        %swap3A_330 = vector.shape_cast %mul3A_325 : vector<16xf32> to vector<1x16xf32>
        tpu.vector_store %arg13[%swap3A_326, %swap3A_327], %swap3A_330 {strides = array<i32>} : memref<64x128xf32, #tpu.memory_space<vmem>>, vector<1x16xf32>,
        %get3A_331 = arith.index_cast %scan3A_234 : i32 to index
        %get3A_332 = arith.constant 112 : index
        %get3A_333 = tpu.vector_load %arg13[%get3A_331, %get3A_332] {strides = array<i32>} : memref<64x128xf32, #tpu.memory_space<vmem>>, vector<1x16xf32>,
        %get3A_334 = vector.shape_cast %get3A_333 : vector<1x16xf32> to vector<16xf32>
        %get3A_335 = arith.index_cast %scan3A_234 : i32 to index
        %get3A_336 = arith.constant 112 : index
        %get3A_337 = tpu.vector_load %arg15[%get3A_335, %get3A_336] {strides = array<i32>} : memref<64x128xf32, #tpu.memory_space<vmem>>, vector<1x16xf32>,
        %get3A_338 = vector.shape_cast %get3A_337 : vector<1x16xf32> to vector<16xf32>
        %mul3A_339 = arith.mulf %get3A_334, %get3A_338 : vector<16xf32>
        %swap3A_340 = arith.index_cast %scan3A_234 : i32 to index
        %swap3A_341 = arith.constant 112 : index
        %swap3A_342 = tpu.vector_load %arg13[%swap3A_340, %swap3A_341] {strides = array<i32>} : memref<64x128xf32, #tpu.memory_space<vmem>>, vector<1x16xf32>,
        %swap3A_343 = vector.shape_cast %swap3A_342 : vector<1x16xf32> to vector<16xf32>
        %swap3A_344 = vector.shape_cast %mul3A_339 : vector<16xf32> to vector<1x16xf32>
        tpu.vector_store %arg13[%swap3A_340, %swap3A_341], %swap3A_344 {strides = array<i32>} : memref<64x128xf32, #tpu.memory_space<vmem>>, vector<1x16xf32>,
      }
      %scan3A_119 = arith.constant 64 : i32
      %dma_start3A_120 = arith.constant 0 : i32
      %dma_start3A_121 = arith.constant 0 : i32
      %dma_start3A_122 = tpu.memref_slice %arg17[%dma_start3A_120, %dma_start3A_121] : memref<10000x128xf32, #tpu.memory_space<vmem_shared>> -> memref<10000x128xf32, #tpu.memory_space<vmem_shared>>
      tpu.enqueue_indirect_dma source(%arg13 : memref<64x128xf32, #tpu.memory_space<vmem>>) target(%dma_start3A_122 : memref<10000x128xf32, #tpu.memory_space<vmem_shared>>) offsets(%arg9 : memref<64xi32, #tpu.memory_space<vmem>>) semaphore(%arg24 : memref<!tpu.dma_semaphore, #tpu.memory_space<semaphore_mem>>) {add = true}
      %mul3A_123 = arith.constant 4 : i32
      %mul3A_124 = arith.muli %mul3A_123, %scan3A_86 : i32
      %add3A_125 = arith.constant 1 : i32
      %add3A_126 = arith.addi %mul3A_124, %add3A_125 : i32
      %add3A_127 = arith.addi %mul3A_2, %add3A_126 : i32
      %add3A_128 = arith.constant 1 : i32
      %add3A_129 = arith.addi %add3A_126, %add3A_128 : i32
      %lt3A_130 = arith.constant 160 : i32
      %lt3A_131 = arith.cmpi slt, %add3A_129, %lt3A_130 : i32
      %convert_element_type3A_132 = arith.extui %lt3A_131 : i1 to i32
      %cond3A_133 = arith.constant 0 : i32
      %cond3A_134 = arith.cmpi ne, %convert_element_type3A_132, %cond3A_133 : i32
      scf.if %cond3A_134 {
        %dma_wait3A_234 = arith.constant 0 : i32
        %dma_wait3A_235 = tpu.memref_slice %arg3[%dma_wait3A_234] : memref<327680xi32, #tpu.memory_space<hbm>> -> memref<64xi32, #tpu.memory_space<hbm>>
        %dma_wait3A_236 = arith.constant 0 : i32
        %dma_wait3A_237 = tpu.memref_slice %arg3[%dma_wait3A_236] : memref<327680xi32, #tpu.memory_space<hbm>> -> memref<64xi32, #tpu.memory_space<hbm>>
        tpu.wait_dma2 semaphore(%arg22 : memref<!tpu.dma_semaphore, #tpu.memory_space<semaphore_mem>>) src(%dma_wait3A_237 : memref<64xi32, #tpu.memory_space<hbm>>) dst(%arg7 : memref<64xi32, #tpu.memory_space<vmem>>)
        %dma_wait3A_238 = arith.constant 0 : i32
        %dma_wait3A_239 = tpu.memref_slice %arg4[%dma_wait3A_238] : memref<327680xi32, #tpu.memory_space<hbm>> -> memref<64xi32, #tpu.memory_space<hbm>>
        %dma_wait3A_240 = arith.constant 0 : i32
        %dma_wait3A_241 = tpu.memref_slice %arg4[%dma_wait3A_240] : memref<327680xi32, #tpu.memory_space<hbm>> -> memref<64xi32, #tpu.memory_space<hbm>>
        tpu.wait_dma2 semaphore(%arg22 : memref<!tpu.dma_semaphore, #tpu.memory_space<semaphore_mem>>) src(%dma_wait3A_241 : memref<64xi32, #tpu.memory_space<hbm>>) dst(%arg11 : memref<64xi32, #tpu.memory_space<vmem>>)
        %ge3A = arith.constant 1 : i32
        %ge3A_242 = arith.cmpi sge, %add3A_126, %ge3A : i32
        %convert_element_type3A_243 = arith.extui %ge3A_242 : i1 to i32
        %cond3A_244 = arith.constant 0 : i32
        %cond3A_245 = arith.cmpi ne, %convert_element_type3A_243, %cond3A_244 : i32
        scf.if %cond3A_245 {
          %dma_wait3A_257 = arith.constant 0 : i32
          %dma_wait3A_258 = arith.constant 0 : i32
          %dma_wait3A_259 = tpu.memref_slice %arg17[%dma_wait3A_257, %dma_wait3A_258] : memref<10000x128xf32, #tpu.memory_space<vmem_shared>> -> memref<10000x128xf32, #tpu.memory_space<vmem_shared>>
          tpu.wait_indirect_dma semaphore(%arg24 : memref<!tpu.dma_semaphore, #tpu.memory_space<semaphore_mem>>) src(%arg13 : memref<64x128xf32, #tpu.memory_space<vmem>>) dst(%dma_wait3A_259 : memref<10000x128xf32, #tpu.memory_space<vmem_shared>>)
        } else {
        }
        %dma_start3A_246 = arith.constant 0 : i32
        %dma_start3A_247 = arith.constant 0 : i32
        %dma_start3A_248 = tpu.memref_slice %arg2[%dma_start3A_246, %dma_start3A_247] : memref<10000x128xf32, #tpu.memory_space<hbm>> -> memref<10000x128xf32, #tpu.memory_space<hbm>>
        tpu.enqueue_indirect_dma source(%dma_start3A_248 : memref<10000x128xf32, #tpu.memory_space<hbm>>) target(%arg13 : memref<64x128xf32, #tpu.memory_space<vmem>>) offsets(%arg7 : memref<64xi32, #tpu.memory_space<vmem>>) semaphore(%arg18 : memref<!tpu.dma_semaphore, #tpu.memory_space<semaphore_mem>>)
        %add3A_249 = arith.constant 1 : i32
        %add3A_250 = arith.addi %add3A_127, %add3A_249 : i32
        %mul3A_251 = arith.constant 64 : i32
        %mul3A_252 = arith.muli %add3A_250, %mul3A_251 : i32
        %dma_start3A_253 = arith.constant 0 : i32
        %dma_start3A_254 = tpu.memref_slice %arg5[%mul3A_252, %dma_start3A_253] : memref<327680x128xf32, #tpu.memory_space<hbm>> -> memref<64x128xf32, #tpu.memory_space<hbm>>
        %dma_start3A_255 = arith.constant 0 : i32
        %dma_start3A_256 = tpu.memref_slice %arg5[%mul3A_252, %dma_start3A_255] : memref<327680x128xf32, #tpu.memory_space<hbm>> -> memref<64x128xf32, #tpu.memory_space<hbm>>
        tpu.enqueue_dma source(%dma_start3A_256 : memref<64x128xf32, #tpu.memory_space<hbm>>) target(%arg15 : memref<64x128xf32, #tpu.memory_space<vmem>>) target_semaphore(%arg20 : memref<!tpu.dma_semaphore, #tpu.memory_space<semaphore_mem>>)
      } else {
      }
      %dma_wait3A_135 = arith.constant 0 : i32
      %dma_wait3A_136 = arith.constant 0 : i32
      %dma_wait3A_137 = tpu.memref_slice %arg2[%dma_wait3A_135, %dma_wait3A_136] : memref<10000x128xf32, #tpu.memory_space<hbm>> -> memref<10000x128xf32, #tpu.memory_space<hbm>>
      tpu.wait_indirect_dma semaphore(%arg19 : memref<!tpu.dma_semaphore, #tpu.memory_space<semaphore_mem>>) src(%dma_wait3A_137 : memref<10000x128xf32, #tpu.memory_space<hbm>>) dst(%arg14 : memref<64x128xf32, #tpu.memory_space<vmem>>)
      %dma_wait3A_138 = arith.constant 0 : i32
      %dma_wait3A_139 = arith.constant 0 : i32
      %dma_wait3A_140 = tpu.memref_slice %arg5[%dma_wait3A_138, %dma_wait3A_139] : memref<327680x128xf32, #tpu.memory_space<hbm>> -> memref<64x128xf32, #tpu.memory_space<hbm>>
      %dma_wait3A_141 = arith.constant 0 : i32
      %dma_wait3A_142 = arith.constant 0 : i32
      %dma_wait3A_143 = tpu.memref_slice %arg5[%dma_wait3A_141, %dma_wait3A_142] : memref<327680x128xf32, #tpu.memory_space<hbm>> -> memref<64x128xf32, #tpu.memory_space<hbm>>
      tpu.wait_dma2 semaphore(%arg21 : memref<!tpu.dma_semaphore, #tpu.memory_space<semaphore_mem>>) src(%dma_wait3A_143 : memref<64x128xf32, #tpu.memory_space<hbm>>) dst(%arg16 : memref<64x128xf32, #tpu.memory_space<vmem>>)
      %add3A_144 = arith.constant 2 : i32
      %add3A_145 = arith.addi %add3A_126, %add3A_144 : i32
      %lt3A_146 = arith.constant 160 : i32
      %lt3A_147 = arith.cmpi slt, %add3A_145, %lt3A_146 : i32
      %convert_element_type3A_148 = arith.extui %lt3A_147 : i1 to i32
      %cond3A_149 = arith.constant 0 : i32
      %cond3A_150 = arith.cmpi ne, %convert_element_type3A_148, %cond3A_149 : i32
      scf.if %cond3A_150 {
        %add3A_234 = arith.constant 2 : i32
        %add3A_235 = arith.addi %add3A_127, %add3A_234 : i32
        %mul3A_236 = arith.constant 64 : i32
        %mul3A_237 = arith.muli %add3A_235, %mul3A_236 : i32
        %dma_start3A_238 = tpu.memref_slice %arg3[%mul3A_237] : memref<327680xi32, #tpu.memory_space<hbm>> -> memref<64xi32, #tpu.memory_space<hbm>>
        %dma_start3A_239 = tpu.memref_slice %arg3[%mul3A_237] : memref<327680xi32, #tpu.memory_space<hbm>> -> memref<64xi32, #tpu.memory_space<hbm>>
        tpu.enqueue_dma source(%dma_start3A_239 : memref<64xi32, #tpu.memory_space<hbm>>) target(%arg8 : memref<64xi32, #tpu.memory_space<vmem>>) target_semaphore(%arg23 : memref<!tpu.dma_semaphore, #tpu.memory_space<semaphore_mem>>)
        %mul3A_240 = arith.constant 64 : i32
        %mul3A_241 = arith.muli %add3A_235, %mul3A_240 : i32
        %dma_start3A_242 = tpu.memref_slice %arg4[%mul3A_241] : memref<327680xi32, #tpu.memory_space<hbm>> -> memref<64xi32, #tpu.memory_space<hbm>>
        %dma_start3A_243 = tpu.memref_slice %arg4[%mul3A_241] : memref<327680xi32, #tpu.memory_space<hbm>> -> memref<64xi32, #tpu.memory_space<hbm>>
        tpu.enqueue_dma source(%dma_start3A_243 : memref<64xi32, #tpu.memory_space<hbm>>) target(%arg12 : memref<64xi32, #tpu.memory_space<vmem>>) target_semaphore(%arg23 : memref<!tpu.dma_semaphore, #tpu.memory_space<semaphore_mem>>)
      } else {
      }
      %scan3A_151 = arith.constant 0 : i32
      %scan3A_152 = arith.constant 0 : i32
      %scan3A_153 = arith.constant 64 : i32
      %scan3A_154 = arith.addi %scan3A_152, %scan3A_153 : i32
      %scan3A_155 = arith.constant 1 : i32
      scf.for %scan3A_234 = %scan3A_152 to %scan3A_154 step %scan3A_155  : i32 {
        %get3A = arith.index_cast %scan3A_234 : i32 to index
        %get3A_235 = arith.constant 0 : index
        %get3A_236 = tpu.vector_load %arg14[%get3A, %get3A_235] {strides = array<i32>} : memref<64x128xf32, #tpu.memory_space<vmem>>, vector<1x16xf32>,
        %get3A_237 = vector.shape_cast %get3A_236 : vector<1x16xf32> to vector<16xf32>
        %get3A_238 = arith.index_cast %scan3A_234 : i32 to index
        %get3A_239 = arith.constant 0 : index
        %get3A_240 = tpu.vector_load %arg16[%get3A_238, %get3A_239] {strides = array<i32>} : memref<64x128xf32, #tpu.memory_space<vmem>>, vector<1x16xf32>,
        %get3A_241 = vector.shape_cast %get3A_240 : vector<1x16xf32> to vector<16xf32>
        %mul3A_242 = arith.mulf %get3A_237, %get3A_241 : vector<16xf32>
        %swap3A = arith.index_cast %scan3A_234 : i32 to index
        %swap3A_243 = arith.constant 0 : index
        %swap3A_244 = tpu.vector_load %arg14[%swap3A, %swap3A_243] {strides = array<i32>} : memref<64x128xf32, #tpu.memory_space<vmem>>, vector<1x16xf32>,
        %swap3A_245 = vector.shape_cast %swap3A_244 : vector<1x16xf32> to vector<16xf32>
        %swap3A_246 = vector.shape_cast %mul3A_242 : vector<16xf32> to vector<1x16xf32>
        tpu.vector_store %arg14[%swap3A, %swap3A_243], %swap3A_246 {strides = array<i32>} : memref<64x128xf32, #tpu.memory_space<vmem>>, vector<1x16xf32>,
        %get3A_247 = arith.index_cast %scan3A_234 : i32 to index
        %get3A_248 = arith.constant 16 : index
        %get3A_249 = tpu.vector_load %arg14[%get3A_247, %get3A_248] {strides = array<i32>} : memref<64x128xf32, #tpu.memory_space<vmem>>, vector<1x16xf32>,
        %get3A_250 = vector.shape_cast %get3A_249 : vector<1x16xf32> to vector<16xf32>
        %get3A_251 = arith.index_cast %scan3A_234 : i32 to index
        %get3A_252 = arith.constant 16 : index
        %get3A_253 = tpu.vector_load %arg16[%get3A_251, %get3A_252] {strides = array<i32>} : memref<64x128xf32, #tpu.memory_space<vmem>>, vector<1x16xf32>,
        %get3A_254 = vector.shape_cast %get3A_253 : vector<1x16xf32> to vector<16xf32>
        %mul3A_255 = arith.mulf %get3A_250, %get3A_254 : vector<16xf32>
        %swap3A_256 = arith.index_cast %scan3A_234 : i32 to index
        %swap3A_257 = arith.constant 16 : index
        %swap3A_258 = tpu.vector_load %arg14[%swap3A_256, %swap3A_257] {strides = array<i32>} : memref<64x128xf32, #tpu.memory_space<vmem>>, vector<1x16xf32>,
        %swap3A_259 = vector.shape_cast %swap3A_258 : vector<1x16xf32> to vector<16xf32>
        %swap3A_260 = vector.shape_cast %mul3A_255 : vector<16xf32> to vector<1x16xf32>
        tpu.vector_store %arg14[%swap3A_256, %swap3A_257], %swap3A_260 {strides = array<i32>} : memref<64x128xf32, #tpu.memory_space<vmem>>, vector<1x16xf32>,
        %get3A_261 = arith.index_cast %scan3A_234 : i32 to index
        %get3A_262 = arith.constant 32 : index
        %get3A_263 = tpu.vector_load %arg14[%get3A_261, %get3A_262] {strides = array<i32>} : memref<64x128xf32, #tpu.memory_space<vmem>>, vector<1x16xf32>,
        %get3A_264 = vector.shape_cast %get3A_263 : vector<1x16xf32> to vector<16xf32>
        %get3A_265 = arith.index_cast %scan3A_234 : i32 to index
        %get3A_266 = arith.constant 32 : index
        %get3A_267 = tpu.vector_load %arg16[%get3A_265, %get3A_266] {strides = array<i32>} : memref<64x128xf32, #tpu.memory_space<vmem>>, vector<1x16xf32>,
        %get3A_268 = vector.shape_cast %get3A_267 : vector<1x16xf32> to vector<16xf32>
        %mul3A_269 = arith.mulf %get3A_264, %get3A_268 : vector<16xf32>
        %swap3A_270 = arith.index_cast %scan3A_234 : i32 to index
        %swap3A_271 = arith.constant 32 : index
        %swap3A_272 = tpu.vector_load %arg14[%swap3A_270, %swap3A_271] {strides = array<i32>} : memref<64x128xf32, #tpu.memory_space<vmem>>, vector<1x16xf32>,
        %swap3A_273 = vector.shape_cast %swap3A_272 : vector<1x16xf32> to vector<16xf32>
        %swap3A_274 = vector.shape_cast %mul3A_269 : vector<16xf32> to vector<1x16xf32>
        tpu.vector_store %arg14[%swap3A_270, %swap3A_271], %swap3A_274 {strides = array<i32>} : memref<64x128xf32, #tpu.memory_space<vmem>>, vector<1x16xf32>,
        %get3A_275 = arith.index_cast %scan3A_234 : i32 to index
        %get3A_276 = arith.constant 48 : index
        %get3A_277 = tpu.vector_load %arg14[%get3A_275, %get3A_276] {strides = array<i32>} : memref<64x128xf32, #tpu.memory_space<vmem>>, vector<1x16xf32>,
        %get3A_278 = vector.shape_cast %get3A_277 : vector<1x16xf32> to vector<16xf32>
        %get3A_279 = arith.index_cast %scan3A_234 : i32 to index
        %get3A_280 = arith.constant 48 : index
        %get3A_281 = tpu.vector_load %arg16[%get3A_279, %get3A_280] {strides = array<i32>} : memref<64x128xf32, #tpu.memory_space<vmem>>, vector<1x16xf32>,
        %get3A_282 = vector.shape_cast %get3A_281 : vector<1x16xf32> to vector<16xf32>
        %mul3A_283 = arith.mulf %get3A_278, %get3A_282 : vector<16xf32>
        %swap3A_284 = arith.index_cast %scan3A_234 : i32 to index
        %swap3A_285 = arith.constant 48 : index
        %swap3A_286 = tpu.vector_load %arg14[%swap3A_284, %swap3A_285] {strides = array<i32>} : memref<64x128xf32, #tpu.memory_space<vmem>>, vector<1x16xf32>,
        %swap3A_287 = vector.shape_cast %swap3A_286 : vector<1x16xf32> to vector<16xf32>
        %swap3A_288 = vector.shape_cast %mul3A_283 : vector<16xf32> to vector<1x16xf32>
        tpu.vector_store %arg14[%swap3A_284, %swap3A_285], %swap3A_288 {strides = array<i32>} : memref<64x128xf32, #tpu.memory_space<vmem>>, vector<1x16xf32>,
        %get3A_289 = arith.index_cast %scan3A_234 : i32 to index
        %get3A_290 = arith.constant 64 : index
        %get3A_291 = tpu.vector_load %arg14[%get3A_289, %get3A_290] {strides = array<i32>} : memref<64x128xf32, #tpu.memory_space<vmem>>, vector<1x16xf32>,
        %get3A_292 = vector.shape_cast %get3A_291 : vector<1x16xf32> to vector<16xf32>
        %get3A_293 = arith.index_cast %scan3A_234 : i32 to index
        %get3A_294 = arith.constant 64 : index
        %get3A_295 = tpu.vector_load %arg16[%get3A_293, %get3A_294] {strides = array<i32>} : memref<64x128xf32, #tpu.memory_space<vmem>>, vector<1x16xf32>,
        %get3A_296 = vector.shape_cast %get3A_295 : vector<1x16xf32> to vector<16xf32>
        %mul3A_297 = arith.mulf %get3A_292, %get3A_296 : vector<16xf32>
        %swap3A_298 = arith.index_cast %scan3A_234 : i32 to index
        %swap3A_299 = arith.constant 64 : index
        %swap3A_300 = tpu.vector_load %arg14[%swap3A_298, %swap3A_299] {strides = array<i32>} : memref<64x128xf32, #tpu.memory_space<vmem>>, vector<1x16xf32>,
        %swap3A_301 = vector.shape_cast %swap3A_300 : vector<1x16xf32> to vector<16xf32>
        %swap3A_302 = vector.shape_cast %mul3A_297 : vector<16xf32> to vector<1x16xf32>
        tpu.vector_store %arg14[%swap3A_298, %swap3A_299], %swap3A_302 {strides = array<i32>} : memref<64x128xf32, #tpu.memory_space<vmem>>, vector<1x16xf32>,
        %get3A_303 = arith.index_cast %scan3A_234 : i32 to index
        %get3A_304 = arith.constant 80 : index
        %get3A_305 = tpu.vector_load %arg14[%get3A_303, %get3A_304] {strides = array<i32>} : memref<64x128xf32, #tpu.memory_space<vmem>>, vector<1x16xf32>,
        %get3A_306 = vector.shape_cast %get3A_305 : vector<1x16xf32> to vector<16xf32>
        %get3A_307 = arith.index_cast %scan3A_234 : i32 to index
        %get3A_308 = arith.constant 80 : index
        %get3A_309 = tpu.vector_load %arg16[%get3A_307, %get3A_308] {strides = array<i32>} : memref<64x128xf32, #tpu.memory_space<vmem>>, vector<1x16xf32>,
        %get3A_310 = vector.shape_cast %get3A_309 : vector<1x16xf32> to vector<16xf32>
        %mul3A_311 = arith.mulf %get3A_306, %get3A_310 : vector<16xf32>
        %swap3A_312 = arith.index_cast %scan3A_234 : i32 to index
        %swap3A_313 = arith.constant 80 : index
        %swap3A_314 = tpu.vector_load %arg14[%swap3A_312, %swap3A_313] {strides = array<i32>} : memref<64x128xf32, #tpu.memory_space<vmem>>, vector<1x16xf32>,
        %swap3A_315 = vector.shape_cast %swap3A_314 : vector<1x16xf32> to vector<16xf32>
        %swap3A_316 = vector.shape_cast %mul3A_311 : vector<16xf32> to vector<1x16xf32>
        tpu.vector_store %arg14[%swap3A_312, %swap3A_313], %swap3A_316 {strides = array<i32>} : memref<64x128xf32, #tpu.memory_space<vmem>>, vector<1x16xf32>,
        %get3A_317 = arith.index_cast %scan3A_234 : i32 to index
        %get3A_318 = arith.constant 96 : index
        %get3A_319 = tpu.vector_load %arg14[%get3A_317, %get3A_318] {strides = array<i32>} : memref<64x128xf32, #tpu.memory_space<vmem>>, vector<1x16xf32>,
        %get3A_320 = vector.shape_cast %get3A_319 : vector<1x16xf32> to vector<16xf32>
        %get3A_321 = arith.index_cast %scan3A_234 : i32 to index
        %get3A_322 = arith.constant 96 : index
        %get3A_323 = tpu.vector_load %arg16[%get3A_321, %get3A_322] {strides = array<i32>} : memref<64x128xf32, #tpu.memory_space<vmem>>, vector<1x16xf32>,
        %get3A_324 = vector.shape_cast %get3A_323 : vector<1x16xf32> to vector<16xf32>
        %mul3A_325 = arith.mulf %get3A_320, %get3A_324 : vector<16xf32>
        %swap3A_326 = arith.index_cast %scan3A_234 : i32 to index
        %swap3A_327 = arith.constant 96 : index
        %swap3A_328 = tpu.vector_load %arg14[%swap3A_326, %swap3A_327] {strides = array<i32>} : memref<64x128xf32, #tpu.memory_space<vmem>>, vector<1x16xf32>,
        %swap3A_329 = vector.shape_cast %swap3A_328 : vector<1x16xf32> to vector<16xf32>
        %swap3A_330 = vector.shape_cast %mul3A_325 : vector<16xf32> to vector<1x16xf32>
        tpu.vector_store %arg14[%swap3A_326, %swap3A_327], %swap3A_330 {strides = array<i32>} : memref<64x128xf32, #tpu.memory_space<vmem>>, vector<1x16xf32>,
        %get3A_331 = arith.index_cast %scan3A_234 : i32 to index
        %get3A_332 = arith.constant 112 : index
        %get3A_333 = tpu.vector_load %arg14[%get3A_331, %get3A_332] {strides = array<i32>} : memref<64x128xf32, #tpu.memory_space<vmem>>, vector<1x16xf32>,
        %get3A_334 = vector.shape_cast %get3A_333 : vector<1x16xf32> to vector<16xf32>
        %get3A_335 = arith.index_cast %scan3A_234 : i32 to index
        %get3A_336 = arith.constant 112 : index
        %get3A_337 = tpu.vector_load %arg16[%get3A_335, %get3A_336] {strides = array<i32>} : memref<64x128xf32, #tpu.memory_space<vmem>>, vector<1x16xf32>,
        %get3A_338 = vector.shape_cast %get3A_337 : vector<1x16xf32> to vector<16xf32>
        %mul3A_339 = arith.mulf %get3A_334, %get3A_338 : vector<16xf32>
        %swap3A_340 = arith.index_cast %scan3A_234 : i32 to index
        %swap3A_341 = arith.constant 112 : index
        %swap3A_342 = tpu.vector_load %arg14[%swap3A_340, %swap3A_341] {strides = array<i32>} : memref<64x128xf32, #tpu.memory_space<vmem>>, vector<1x16xf32>,
        %swap3A_343 = vector.shape_cast %swap3A_342 : vector<1x16xf32> to vector<16xf32>
        %swap3A_344 = vector.shape_cast %mul3A_339 : vector<16xf32> to vector<1x16xf32>
        tpu.vector_store %arg14[%swap3A_340, %swap3A_341], %swap3A_344 {strides = array<i32>} : memref<64x128xf32, #tpu.memory_space<vmem>>, vector<1x16xf32>,
      }
      %scan3A_156 = arith.constant 64 : i32
      %dma_start3A_157 = arith.constant 0 : i32
      %dma_start3A_158 = arith.constant 0 : i32
      %dma_start3A_159 = tpu.memref_slice %arg17[%dma_start3A_157, %dma_start3A_158] : memref<10000x128xf32, #tpu.memory_space<vmem_shared>> -> memref<10000x128xf32, #tpu.memory_space<vmem_shared>>
      tpu.enqueue_indirect_dma source(%arg14 : memref<64x128xf32, #tpu.memory_space<vmem>>) target(%dma_start3A_159 : memref<10000x128xf32, #tpu.memory_space<vmem_shared>>) offsets(%arg10 : memref<64xi32, #tpu.memory_space<vmem>>) semaphore(%arg25 : memref<!tpu.dma_semaphore, #tpu.memory_space<semaphore_mem>>) {add = true}
      %mul3A_160 = arith.constant 4 : i32
      %mul3A_161 = arith.muli %mul3A_160, %scan3A_86 : i32
      %add3A_162 = arith.constant 2 : i32
      %add3A_163 = arith.addi %mul3A_161, %add3A_162 : i32
      %add3A_164 = arith.addi %mul3A_2, %add3A_163 : i32
      %add3A_165 = arith.constant 1 : i32
      %add3A_166 = arith.addi %add3A_163, %add3A_165 : i32
      %lt3A_167 = arith.constant 160 : i32
      %lt3A_168 = arith.cmpi slt, %add3A_166, %lt3A_167 : i32
      %convert_element_type3A_169 = arith.extui %lt3A_168 : i1 to i32
      %cond3A_170 = arith.constant 0 : i32
      %cond3A_171 = arith.cmpi ne, %convert_element_type3A_169, %cond3A_170 : i32
      scf.if %cond3A_171 {
        %dma_wait3A_234 = arith.constant 0 : i32
        %dma_wait3A_235 = tpu.memref_slice %arg3[%dma_wait3A_234] : memref<327680xi32, #tpu.memory_space<hbm>> -> memref<64xi32, #tpu.memory_space<hbm>>
        %dma_wait3A_236 = arith.constant 0 : i32
        %dma_wait3A_237 = tpu.memref_slice %arg3[%dma_wait3A_236] : memref<327680xi32, #tpu.memory_space<hbm>> -> memref<64xi32, #tpu.memory_space<hbm>>
        tpu.wait_dma2 semaphore(%arg23 : memref<!tpu.dma_semaphore, #tpu.memory_space<semaphore_mem>>) src(%dma_wait3A_237 : memref<64xi32, #tpu.memory_space<hbm>>) dst(%arg8 : memref<64xi32, #tpu.memory_space<vmem>>)
        %dma_wait3A_238 = arith.constant 0 : i32
        %dma_wait3A_239 = tpu.memref_slice %arg4[%dma_wait3A_238] : memref<327680xi32, #tpu.memory_space<hbm>> -> memref<64xi32, #tpu.memory_space<hbm>>
        %dma_wait3A_240 = arith.constant 0 : i32
        %dma_wait3A_241 = tpu.memref_slice %arg4[%dma_wait3A_240] : memref<327680xi32, #tpu.memory_space<hbm>> -> memref<64xi32, #tpu.memory_space<hbm>>
        tpu.wait_dma2 semaphore(%arg23 : memref<!tpu.dma_semaphore, #tpu.memory_space<semaphore_mem>>) src(%dma_wait3A_241 : memref<64xi32, #tpu.memory_space<hbm>>) dst(%arg12 : memref<64xi32, #tpu.memory_space<vmem>>)
        %ge3A = arith.constant 1 : i32
        %ge3A_242 = arith.cmpi sge, %add3A_163, %ge3A : i32
        %convert_element_type3A_243 = arith.extui %ge3A_242 : i1 to i32
        %cond3A_244 = arith.constant 0 : i32
        %cond3A_245 = arith.cmpi ne, %convert_element_type3A_243, %cond3A_244 : i32
        scf.if %cond3A_245 {
          %dma_wait3A_257 = arith.constant 0 : i32
          %dma_wait3A_258 = arith.constant 0 : i32
          %dma_wait3A_259 = tpu.memref_slice %arg17[%dma_wait3A_257, %dma_wait3A_258] : memref<10000x128xf32, #tpu.memory_space<vmem_shared>> -> memref<10000x128xf32, #tpu.memory_space<vmem_shared>>
          tpu.wait_indirect_dma semaphore(%arg25 : memref<!tpu.dma_semaphore, #tpu.memory_space<semaphore_mem>>) src(%arg14 : memref<64x128xf32, #tpu.memory_space<vmem>>) dst(%dma_wait3A_259 : memref<10000x128xf32, #tpu.memory_space<vmem_shared>>)
        } else {
        }
        %dma_start3A_246 = arith.constant 0 : i32
        %dma_start3A_247 = arith.constant 0 : i32
        %dma_start3A_248 = tpu.memref_slice %arg2[%dma_start3A_246, %dma_start3A_247] : memref<10000x128xf32, #tpu.memory_space<hbm>> -> memref<10000x128xf32, #tpu.memory_space<hbm>>
        tpu.enqueue_indirect_dma source(%dma_start3A_248 : memref<10000x128xf32, #tpu.memory_space<hbm>>) target(%arg14 : memref<64x128xf32, #tpu.memory_space<vmem>>) offsets(%arg8 : memref<64xi32, #tpu.memory_space<vmem>>) semaphore(%arg19 : memref<!tpu.dma_semaphore, #tpu.memory_space<semaphore_mem>>)
        %add3A_249 = arith.constant 1 : i32
        %add3A_250 = arith.addi %add3A_164, %add3A_249 : i32
        %mul3A_251 = arith.constant 64 : i32
        %mul3A_252 = arith.muli %add3A_250, %mul3A_251 : i32
        %dma_start3A_253 = arith.constant 0 : i32
        %dma_start3A_254 = tpu.memref_slice %arg5[%mul3A_252, %dma_start3A_253] : memref<327680x128xf32, #tpu.memory_space<hbm>> -> memref<64x128xf32, #tpu.memory_space<hbm>>
        %dma_start3A_255 = arith.constant 0 : i32
        %dma_start3A_256 = tpu.memref_slice %arg5[%mul3A_252, %dma_start3A_255] : memref<327680x128xf32, #tpu.memory_space<hbm>> -> memref<64x128xf32, #tpu.memory_space<hbm>>
        tpu.enqueue_dma source(%dma_start3A_256 : memref<64x128xf32, #tpu.memory_space<hbm>>) target(%arg16 : memref<64x128xf32, #tpu.memory_space<vmem>>) target_semaphore(%arg21 : memref<!tpu.dma_semaphore, #tpu.memory_space<semaphore_mem>>)
      } else {
      }
      %dma_wait3A_172 = arith.constant 0 : i32
      %dma_wait3A_173 = arith.constant 0 : i32
      %dma_wait3A_174 = tpu.memref_slice %arg2[%dma_wait3A_172, %dma_wait3A_173] : memref<10000x128xf32, #tpu.memory_space<hbm>> -> memref<10000x128xf32, #tpu.memory_space<hbm>>
      tpu.wait_indirect_dma semaphore(%arg18 : memref<!tpu.dma_semaphore, #tpu.memory_space<semaphore_mem>>) src(%dma_wait3A_174 : memref<10000x128xf32, #tpu.memory_space<hbm>>) dst(%arg13 : memref<64x128xf32, #tpu.memory_space<vmem>>)
      %dma_wait3A_175 = arith.constant 0 : i32
      %dma_wait3A_176 = arith.constant 0 : i32
      %dma_wait3A_177 = tpu.memref_slice %arg5[%dma_wait3A_175, %dma_wait3A_176] : memref<327680x128xf32, #tpu.memory_space<hbm>> -> memref<64x128xf32, #tpu.memory_space<hbm>>
      %dma_wait3A_178 = arith.constant 0 : i32
      %dma_wait3A_179 = arith.constant 0 : i32
      %dma_wait3A_180 = tpu.memref_slice %arg5[%dma_wait3A_178, %dma_wait3A_179] : memref<327680x128xf32, #tpu.memory_space<hbm>> -> memref<64x128xf32, #tpu.memory_space<hbm>>
      tpu.wait_dma2 semaphore(%arg20 : memref<!tpu.dma_semaphore, #tpu.memory_space<semaphore_mem>>) src(%dma_wait3A_180 : memref<64x128xf32, #tpu.memory_space<hbm>>) dst(%arg15 : memref<64x128xf32, #tpu.memory_space<vmem>>)
      %add3A_181 = arith.constant 2 : i32
      %add3A_182 = arith.addi %add3A_163, %add3A_181 : i32
      %lt3A_183 = arith.constant 160 : i32
      %lt3A_184 = arith.cmpi slt, %add3A_182, %lt3A_183 : i32
      %convert_element_type3A_185 = arith.extui %lt3A_184 : i1 to i32
      %cond3A_186 = arith.constant 0 : i32
      %cond3A_187 = arith.cmpi ne, %convert_element_type3A_185, %cond3A_186 : i32
      scf.if %cond3A_187 {
        %add3A_234 = arith.constant 2 : i32
        %add3A_235 = arith.addi %add3A_164, %add3A_234 : i32
        %mul3A_236 = arith.constant 64 : i32
        %mul3A_237 = arith.muli %add3A_235, %mul3A_236 : i32
        %dma_start3A_238 = tpu.memref_slice %arg3[%mul3A_237] : memref<327680xi32, #tpu.memory_space<hbm>> -> memref<64xi32, #tpu.memory_space<hbm>>
        %dma_start3A_239 = tpu.memref_slice %arg3[%mul3A_237] : memref<327680xi32, #tpu.memory_space<hbm>> -> memref<64xi32, #tpu.memory_space<hbm>>
        tpu.enqueue_dma source(%dma_start3A_239 : memref<64xi32, #tpu.memory_space<hbm>>) target(%arg7 : memref<64xi32, #tpu.memory_space<vmem>>) target_semaphore(%arg22 : memref<!tpu.dma_semaphore, #tpu.memory_space<semaphore_mem>>)
        %mul3A_240 = arith.constant 64 : i32
        %mul3A_241 = arith.muli %add3A_235, %mul3A_240 : i32
        %dma_start3A_242 = tpu.memref_slice %arg4[%mul3A_241] : memref<327680xi32, #tpu.memory_space<hbm>> -> memref<64xi32, #tpu.memory_space<hbm>>
        %dma_start3A_243 = tpu.memref_slice %arg4[%mul3A_241] : memref<327680xi32, #tpu.memory_space<hbm>> -> memref<64xi32, #tpu.memory_space<hbm>>
        tpu.enqueue_dma source(%dma_start3A_243 : memref<64xi32, #tpu.memory_space<hbm>>) target(%arg9 : memref<64xi32, #tpu.memory_space<vmem>>) target_semaphore(%arg22 : memref<!tpu.dma_semaphore, #tpu.memory_space<semaphore_mem>>)
      } else {
      }
      %scan3A_188 = arith.constant 0 : i32
      %scan3A_189 = arith.constant 0 : i32
      %scan3A_190 = arith.constant 64 : i32
      %scan3A_191 = arith.addi %scan3A_189, %scan3A_190 : i32
      %scan3A_192 = arith.constant 1 : i32
      scf.for %scan3A_234 = %scan3A_189 to %scan3A_191 step %scan3A_192  : i32 {
        %get3A = arith.index_cast %scan3A_234 : i32 to index
        %get3A_235 = arith.constant 0 : index
        %get3A_236 = tpu.vector_load %arg13[%get3A, %get3A_235] {strides = array<i32>} : memref<64x128xf32, #tpu.memory_space<vmem>>, vector<1x16xf32>,
        %get3A_237 = vector.shape_cast %get3A_236 : vector<1x16xf32> to vector<16xf32>
        %get3A_238 = arith.index_cast %scan3A_234 : i32 to index
        %get3A_239 = arith.constant 0 : index
        %get3A_240 = tpu.vector_load %arg15[%get3A_238, %get3A_239] {strides = array<i32>} : memref<64x128xf32, #tpu.memory_space<vmem>>, vector<1x16xf32>,
        %get3A_241 = vector.shape_cast %get3A_240 : vector<1x16xf32> to vector<16xf32>
        %mul3A_242 = arith.mulf %get3A_237, %get3A_241 : vector<16xf32>
        %swap3A = arith.index_cast %scan3A_234 : i32 to index
        %swap3A_243 = arith.constant 0 : index
        %swap3A_244 = tpu.vector_load %arg13[%swap3A, %swap3A_243] {strides = array<i32>} : memref<64x128xf32, #tpu.memory_space<vmem>>, vector<1x16xf32>,
        %swap3A_245 = vector.shape_cast %swap3A_244 : vector<1x16xf32> to vector<16xf32>
        %swap3A_246 = vector.shape_cast %mul3A_242 : vector<16xf32> to vector<1x16xf32>
        tpu.vector_store %arg13[%swap3A, %swap3A_243], %swap3A_246 {strides = array<i32>} : memref<64x128xf32, #tpu.memory_space<vmem>>, vector<1x16xf32>,
        %get3A_247 = arith.index_cast %scan3A_234 : i32 to index
        %get3A_248 = arith.constant 16 : index
        %get3A_249 = tpu.vector_load %arg13[%get3A_247, %get3A_248] {strides = array<i32>} : memref<64x128xf32, #tpu.memory_space<vmem>>, vector<1x16xf32>,
        %get3A_250 = vector.shape_cast %get3A_249 : vector<1x16xf32> to vector<16xf32>
        %get3A_251 = arith.index_cast %scan3A_234 : i32 to index
        %get3A_252 = arith.constant 16 : index
        %get3A_253 = tpu.vector_load %arg15[%get3A_251, %get3A_252] {strides = array<i32>} : memref<64x128xf32, #tpu.memory_space<vmem>>, vector<1x16xf32>,
        %get3A_254 = vector.shape_cast %get3A_253 : vector<1x16xf32> to vector<16xf32>
        %mul3A_255 = arith.mulf %get3A_250, %get3A_254 : vector<16xf32>
        %swap3A_256 = arith.index_cast %scan3A_234 : i32 to index
        %swap3A_257 = arith.constant 16 : index
        %swap3A_258 = tpu.vector_load %arg13[%swap3A_256, %swap3A_257] {strides = array<i32>} : memref<64x128xf32, #tpu.memory_space<vmem>>, vector<1x16xf32>,
        %swap3A_259 = vector.shape_cast %swap3A_258 : vector<1x16xf32> to vector<16xf32>
        %swap3A_260 = vector.shape_cast %mul3A_255 : vector<16xf32> to vector<1x16xf32>
        tpu.vector_store %arg13[%swap3A_256, %swap3A_257], %swap3A_260 {strides = array<i32>} : memref<64x128xf32, #tpu.memory_space<vmem>>, vector<1x16xf32>,
        %get3A_261 = arith.index_cast %scan3A_234 : i32 to index
        %get3A_262 = arith.constant 32 : index
        %get3A_263 = tpu.vector_load %arg13[%get3A_261, %get3A_262] {strides = array<i32>} : memref<64x128xf32, #tpu.memory_space<vmem>>, vector<1x16xf32>,
        %get3A_264 = vector.shape_cast %get3A_263 : vector<1x16xf32> to vector<16xf32>
        %get3A_265 = arith.index_cast %scan3A_234 : i32 to index
        %get3A_266 = arith.constant 32 : index
        %get3A_267 = tpu.vector_load %arg15[%get3A_265, %get3A_266] {strides = array<i32>} : memref<64x128xf32, #tpu.memory_space<vmem>>, vector<1x16xf32>,
        %get3A_268 = vector.shape_cast %get3A_267 : vector<1x16xf32> to vector<16xf32>
        %mul3A_269 = arith.mulf %get3A_264, %get3A_268 : vector<16xf32>
        %swap3A_270 = arith.index_cast %scan3A_234 : i32 to index
        %swap3A_271 = arith.constant 32 : index
        %swap3A_272 = tpu.vector_load %arg13[%swap3A_270, %swap3A_271] {strides = array<i32>} : memref<64x128xf32, #tpu.memory_space<vmem>>, vector<1x16xf32>,
        %swap3A_273 = vector.shape_cast %swap3A_272 : vector<1x16xf32> to vector<16xf32>
        %swap3A_274 = vector.shape_cast %mul3A_269 : vector<16xf32> to vector<1x16xf32>
        tpu.vector_store %arg13[%swap3A_270, %swap3A_271], %swap3A_274 {strides = array<i32>} : memref<64x128xf32, #tpu.memory_space<vmem>>, vector<1x16xf32>,
        %get3A_275 = arith.index_cast %scan3A_234 : i32 to index
        %get3A_276 = arith.constant 48 : index
        %get3A_277 = tpu.vector_load %arg13[%get3A_275, %get3A_276] {strides = array<i32>} : memref<64x128xf32, #tpu.memory_space<vmem>>, vector<1x16xf32>,
        %get3A_278 = vector.shape_cast %get3A_277 : vector<1x16xf32> to vector<16xf32>
        %get3A_279 = arith.index_cast %scan3A_234 : i32 to index
        %get3A_280 = arith.constant 48 : index
        %get3A_281 = tpu.vector_load %arg15[%get3A_279, %get3A_280] {strides = array<i32>} : memref<64x128xf32, #tpu.memory_space<vmem>>, vector<1x16xf32>,
        %get3A_282 = vector.shape_cast %get3A_281 : vector<1x16xf32> to vector<16xf32>
        %mul3A_283 = arith.mulf %get3A_278, %get3A_282 : vector<16xf32>
        %swap3A_284 = arith.index_cast %scan3A_234 : i32 to index
        %swap3A_285 = arith.constant 48 : index
        %swap3A_286 = tpu.vector_load %arg13[%swap3A_284, %swap3A_285] {strides = array<i32>} : memref<64x128xf32, #tpu.memory_space<vmem>>, vector<1x16xf32>,
        %swap3A_287 = vector.shape_cast %swap3A_286 : vector<1x16xf32> to vector<16xf32>
        %swap3A_288 = vector.shape_cast %mul3A_283 : vector<16xf32> to vector<1x16xf32>
        tpu.vector_store %arg13[%swap3A_284, %swap3A_285], %swap3A_288 {strides = array<i32>} : memref<64x128xf32, #tpu.memory_space<vmem>>, vector<1x16xf32>,
        %get3A_289 = arith.index_cast %scan3A_234 : i32 to index
        %get3A_290 = arith.constant 64 : index
        %get3A_291 = tpu.vector_load %arg13[%get3A_289, %get3A_290] {strides = array<i32>} : memref<64x128xf32, #tpu.memory_space<vmem>>, vector<1x16xf32>,
        %get3A_292 = vector.shape_cast %get3A_291 : vector<1x16xf32> to vector<16xf32>
        %get3A_293 = arith.index_cast %scan3A_234 : i32 to index
        %get3A_294 = arith.constant 64 : index
        %get3A_295 = tpu.vector_load %arg15[%get3A_293, %get3A_294] {strides = array<i32>} : memref<64x128xf32, #tpu.memory_space<vmem>>, vector<1x16xf32>,
        %get3A_296 = vector.shape_cast %get3A_295 : vector<1x16xf32> to vector<16xf32>
        %mul3A_297 = arith.mulf %get3A_292, %get3A_296 : vector<16xf32>
        %swap3A_298 = arith.index_cast %scan3A_234 : i32 to index
        %swap3A_299 = arith.constant 64 : index
        %swap3A_300 = tpu.vector_load %arg13[%swap3A_298, %swap3A_299] {strides = array<i32>} : memref<64x128xf32, #tpu.memory_space<vmem>>, vector<1x16xf32>,
        %swap3A_301 = vector.shape_cast %swap3A_300 : vector<1x16xf32> to vector<16xf32>
        %swap3A_302 = vector.shape_cast %mul3A_297 : vector<16xf32> to vector<1x16xf32>
        tpu.vector_store %arg13[%swap3A_298, %swap3A_299], %swap3A_302 {strides = array<i32>} : memref<64x128xf32, #tpu.memory_space<vmem>>, vector<1x16xf32>,
        %get3A_303 = arith.index_cast %scan3A_234 : i32 to index
        %get3A_304 = arith.constant 80 : index
        %get3A_305 = tpu.vector_load %arg13[%get3A_303, %get3A_304] {strides = array<i32>} : memref<64x128xf32, #tpu.memory_space<vmem>>, vector<1x16xf32>,
        %get3A_306 = vector.shape_cast %get3A_305 : vector<1x16xf32> to vector<16xf32>
        %get3A_307 = arith.index_cast %scan3A_234 : i32 to index
        %get3A_308 = arith.constant 80 : index
        %get3A_309 = tpu.vector_load %arg15[%get3A_307, %get3A_308] {strides = array<i32>} : memref<64x128xf32, #tpu.memory_space<vmem>>, vector<1x16xf32>,
        %get3A_310 = vector.shape_cast %get3A_309 : vector<1x16xf32> to vector<16xf32>
        %mul3A_311 = arith.mulf %get3A_306, %get3A_310 : vector<16xf32>
        %swap3A_312 = arith.index_cast %scan3A_234 : i32 to index
        %swap3A_313 = arith.constant 80 : index
        %swap3A_314 = tpu.vector_load %arg13[%swap3A_312, %swap3A_313] {strides = array<i32>} : memref<64x128xf32, #tpu.memory_space<vmem>>, vector<1x16xf32>,
        %swap3A_315 = vector.shape_cast %swap3A_314 : vector<1x16xf32> to vector<16xf32>
        %swap3A_316 = vector.shape_cast %mul3A_311 : vector<16xf32> to vector<1x16xf32>
        tpu.vector_store %arg13[%swap3A_312, %swap3A_313], %swap3A_316 {strides = array<i32>} : memref<64x128xf32, #tpu.memory_space<vmem>>, vector<1x16xf32>,
        %get3A_317 = arith.index_cast %scan3A_234 : i32 to index
        %get3A_318 = arith.constant 96 : index
        %get3A_319 = tpu.vector_load %arg13[%get3A_317, %get3A_318] {strides = array<i32>} : memref<64x128xf32, #tpu.memory_space<vmem>>, vector<1x16xf32>,
        %get3A_320 = vector.shape_cast %get3A_319 : vector<1x16xf32> to vector<16xf32>
        %get3A_321 = arith.index_cast %scan3A_234 : i32 to index
        %get3A_322 = arith.constant 96 : index
        %get3A_323 = tpu.vector_load %arg15[%get3A_321, %get3A_322] {strides = array<i32>} : memref<64x128xf32, #tpu.memory_space<vmem>>, vector<1x16xf32>,
        %get3A_324 = vector.shape_cast %get3A_323 : vector<1x16xf32> to vector<16xf32>
        %mul3A_325 = arith.mulf %get3A_320, %get3A_324 : vector<16xf32>
        %swap3A_326 = arith.index_cast %scan3A_234 : i32 to index
        %swap3A_327 = arith.constant 96 : index
        %swap3A_328 = tpu.vector_load %arg13[%swap3A_326, %swap3A_327] {strides = array<i32>} : memref<64x128xf32, #tpu.memory_space<vmem>>, vector<1x16xf32>,
        %swap3A_329 = vector.shape_cast %swap3A_328 : vector<1x16xf32> to vector<16xf32>
        %swap3A_330 = vector.shape_cast %mul3A_325 : vector<16xf32> to vector<1x16xf32>
        tpu.vector_store %arg13[%swap3A_326, %swap3A_327], %swap3A_330 {strides = array<i32>} : memref<64x128xf32, #tpu.memory_space<vmem>>, vector<1x16xf32>,
        %get3A_331 = arith.index_cast %scan3A_234 : i32 to index
        %get3A_332 = arith.constant 112 : index
        %get3A_333 = tpu.vector_load %arg13[%get3A_331, %get3A_332] {strides = array<i32>} : memref<64x128xf32, #tpu.memory_space<vmem>>, vector<1x16xf32>,
        %get3A_334 = vector.shape_cast %get3A_333 : vector<1x16xf32> to vector<16xf32>
        %get3A_335 = arith.index_cast %scan3A_234 : i32 to index
        %get3A_336 = arith.constant 112 : index
        %get3A_337 = tpu.vector_load %arg15[%get3A_335, %get3A_336] {strides = array<i32>} : memref<64x128xf32, #tpu.memory_space<vmem>>, vector<1x16xf32>,
        %get3A_338 = vector.shape_cast %get3A_337 : vector<1x16xf32> to vector<16xf32>
        %mul3A_339 = arith.mulf %get3A_334, %get3A_338 : vector<16xf32>
        %swap3A_340 = arith.index_cast %scan3A_234 : i32 to index
        %swap3A_341 = arith.constant 112 : index
        %swap3A_342 = tpu.vector_load %arg13[%swap3A_340, %swap3A_341] {strides = array<i32>} : memref<64x128xf32, #tpu.memory_space<vmem>>, vector<1x16xf32>,
        %swap3A_343 = vector.shape_cast %swap3A_342 : vector<1x16xf32> to vector<16xf32>
        %swap3A_344 = vector.shape_cast %mul3A_339 : vector<16xf32> to vector<1x16xf32>
        tpu.vector_store %arg13[%swap3A_340, %swap3A_341], %swap3A_344 {strides = array<i32>} : memref<64x128xf32, #tpu.memory_space<vmem>>, vector<1x16xf32>,
      }
      %scan3A_193 = arith.constant 64 : i32
      %dma_start3A_194 = arith.constant 0 : i32
      %dma_start3A_195 = arith.constant 0 : i32
      %dma_start3A_196 = tpu.memref_slice %arg17[%dma_start3A_194, %dma_start3A_195] : memref<10000x128xf32, #tpu.memory_space<vmem_shared>> -> memref<10000x128xf32, #tpu.memory_space<vmem_shared>>
      tpu.enqueue_indirect_dma source(%arg13 : memref<64x128xf32, #tpu.memory_space<vmem>>) target(%dma_start3A_196 : memref<10000x128xf32, #tpu.memory_space<vmem_shared>>) offsets(%arg11 : memref<64xi32, #tpu.memory_space<vmem>>) semaphore(%arg24 : memref<!tpu.dma_semaphore, #tpu.memory_space<semaphore_mem>>) {add = true}
      %mul3A_197 = arith.constant 4 : i32
      %mul3A_198 = arith.muli %mul3A_197, %scan3A_86 : i32
      %add3A_199 = arith.constant 3 : i32
      %add3A_200 = arith.addi %mul3A_198, %add3A_199 : i32
      %add3A_201 = arith.addi %mul3A_2, %add3A_200 : i32
      %add3A_202 = arith.constant 1 : i32
      %add3A_203 = arith.addi %add3A_200, %add3A_202 : i32
      %lt3A_204 = arith.constant 160 : i32
      %lt3A_205 = arith.cmpi slt, %add3A_203, %lt3A_204 : i32
      %convert_element_type3A_206 = arith.extui %lt3A_205 : i1 to i32
      %cond3A_207 = arith.constant 0 : i32
      %cond3A_208 = arith.cmpi ne, %convert_element_type3A_206, %cond3A_207 : i32
      scf.if %cond3A_208 {
        %dma_wait3A_234 = arith.constant 0 : i32
        %dma_wait3A_235 = tpu.memref_slice %arg3[%dma_wait3A_234] : memref<327680xi32, #tpu.memory_space<hbm>> -> memref<64xi32, #tpu.memory_space<hbm>>
        %dma_wait3A_236 = arith.constant 0 : i32
        %dma_wait3A_237 = tpu.memref_slice %arg3[%dma_wait3A_236] : memref<327680xi32, #tpu.memory_space<hbm>> -> memref<64xi32, #tpu.memory_space<hbm>>
        tpu.wait_dma2 semaphore(%arg22 : memref<!tpu.dma_semaphore, #tpu.memory_space<semaphore_mem>>) src(%dma_wait3A_237 : memref<64xi32, #tpu.memory_space<hbm>>) dst(%arg7 : memref<64xi32, #tpu.memory_space<vmem>>)
        %dma_wait3A_238 = arith.constant 0 : i32
        %dma_wait3A_239 = tpu.memref_slice %arg4[%dma_wait3A_238] : memref<327680xi32, #tpu.memory_space<hbm>> -> memref<64xi32, #tpu.memory_space<hbm>>
        %dma_wait3A_240 = arith.constant 0 : i32
        %dma_wait3A_241 = tpu.memref_slice %arg4[%dma_wait3A_240] : memref<327680xi32, #tpu.memory_space<hbm>> -> memref<64xi32, #tpu.memory_space<hbm>>
        tpu.wait_dma2 semaphore(%arg22 : memref<!tpu.dma_semaphore, #tpu.memory_space<semaphore_mem>>) src(%dma_wait3A_241 : memref<64xi32, #tpu.memory_space<hbm>>) dst(%arg9 : memref<64xi32, #tpu.memory_space<vmem>>)
        %ge3A = arith.constant 1 : i32
        %ge3A_242 = arith.cmpi sge, %add3A_200, %ge3A : i32
        %convert_element_type3A_243 = arith.extui %ge3A_242 : i1 to i32
        %cond3A_244 = arith.constant 0 : i32
        %cond3A_245 = arith.cmpi ne, %convert_element_type3A_243, %cond3A_244 : i32
        scf.if %cond3A_245 {
          %dma_wait3A_257 = arith.constant 0 : i32
          %dma_wait3A_258 = arith.constant 0 : i32
          %dma_wait3A_259 = tpu.memref_slice %arg17[%dma_wait3A_257, %dma_wait3A_258] : memref<10000x128xf32, #tpu.memory_space<vmem_shared>> -> memref<10000x128xf32, #tpu.memory_space<vmem_shared>>
          tpu.wait_indirect_dma semaphore(%arg24 : memref<!tpu.dma_semaphore, #tpu.memory_space<semaphore_mem>>) src(%arg13 : memref<64x128xf32, #tpu.memory_space<vmem>>) dst(%dma_wait3A_259 : memref<10000x128xf32, #tpu.memory_space<vmem_shared>>)
        } else {
        }
        %dma_start3A_246 = arith.constant 0 : i32
        %dma_start3A_247 = arith.constant 0 : i32
        %dma_start3A_248 = tpu.memref_slice %arg2[%dma_start3A_246, %dma_start3A_247] : memref<10000x128xf32, #tpu.memory_space<hbm>> -> memref<10000x128xf32, #tpu.memory_space<hbm>>
        tpu.enqueue_indirect_dma source(%dma_start3A_248 : memref<10000x128xf32, #tpu.memory_space<hbm>>) target(%arg13 : memref<64x128xf32, #tpu.memory_space<vmem>>) offsets(%arg7 : memref<64xi32, #tpu.memory_space<vmem>>) semaphore(%arg18 : memref<!tpu.dma_semaphore, #tpu.memory_space<semaphore_mem>>)
        %add3A_249 = arith.constant 1 : i32
        %add3A_250 = arith.addi %add3A_201, %add3A_249 : i32
        %mul3A_251 = arith.constant 64 : i32
        %mul3A_252 = arith.muli %add3A_250, %mul3A_251 : i32
        %dma_start3A_253 = arith.constant 0 : i32
        %dma_start3A_254 = tpu.memref_slice %arg5[%mul3A_252, %dma_start3A_253] : memref<327680x128xf32, #tpu.memory_space<hbm>> -> memref<64x128xf32, #tpu.memory_space<hbm>>
        %dma_start3A_255 = arith.constant 0 : i32
        %dma_start3A_256 = tpu.memref_slice %arg5[%mul3A_252, %dma_start3A_255] : memref<327680x128xf32, #tpu.memory_space<hbm>> -> memref<64x128xf32, #tpu.memory_space<hbm>>
        tpu.enqueue_dma source(%dma_start3A_256 : memref<64x128xf32, #tpu.memory_space<hbm>>) target(%arg15 : memref<64x128xf32, #tpu.memory_space<vmem>>) target_semaphore(%arg20 : memref<!tpu.dma_semaphore, #tpu.memory_space<semaphore_mem>>)
      } else {
      }
      %dma_wait3A_209 = arith.constant 0 : i32
      %dma_wait3A_210 = arith.constant 0 : i32
      %dma_wait3A_211 = tpu.memref_slice %arg2[%dma_wait3A_209, %dma_wait3A_210] : memref<10000x128xf32, #tpu.memory_space<hbm>> -> memref<10000x128xf32, #tpu.memory_space<hbm>>
      tpu.wait_indirect_dma semaphore(%arg19 : memref<!tpu.dma_semaphore, #tpu.memory_space<semaphore_mem>>) src(%dma_wait3A_211 : memref<10000x128xf32, #tpu.memory_space<hbm>>) dst(%arg14 : memref<64x128xf32, #tpu.memory_space<vmem>>)
      %dma_wait3A_212 = arith.constant 0 : i32
      %dma_wait3A_213 = arith.constant 0 : i32
      %dma_wait3A_214 = tpu.memref_slice %arg5[%dma_wait3A_212, %dma_wait3A_213] : memref<327680x128xf32, #tpu.memory_space<hbm>> -> memref<64x128xf32, #tpu.memory_space<hbm>>
      %dma_wait3A_215 = arith.constant 0 : i32
      %dma_wait3A_216 = arith.constant 0 : i32
      %dma_wait3A_217 = tpu.memref_slice %arg5[%dma_wait3A_215, %dma_wait3A_216] : memref<327680x128xf32, #tpu.memory_space<hbm>> -> memref<64x128xf32, #tpu.memory_space<hbm>>
      tpu.wait_dma2 semaphore(%arg21 : memref<!tpu.dma_semaphore, #tpu.memory_space<semaphore_mem>>) src(%dma_wait3A_217 : memref<64x128xf32, #tpu.memory_space<hbm>>) dst(%arg16 : memref<64x128xf32, #tpu.memory_space<vmem>>)
      %add3A_218 = arith.constant 2 : i32
      %add3A_219 = arith.addi %add3A_200, %add3A_218 : i32
      %lt3A_220 = arith.constant 160 : i32
      %lt3A_221 = arith.cmpi slt, %add3A_219, %lt3A_220 : i32
      %convert_element_type3A_222 = arith.extui %lt3A_221 : i1 to i32
      %cond3A_223 = arith.constant 0 : i32
      %cond3A_224 = arith.cmpi ne, %convert_element_type3A_222, %cond3A_223 : i32
      scf.if %cond3A_224 {
        %add3A_234 = arith.constant 2 : i32
        %add3A_235 = arith.addi %add3A_201, %add3A_234 : i32
        %mul3A_236 = arith.constant 64 : i32
        %mul3A_237 = arith.muli %add3A_235, %mul3A_236 : i32
        %dma_start3A_238 = tpu.memref_slice %arg3[%mul3A_237] : memref<327680xi32, #tpu.memory_space<hbm>> -> memref<64xi32, #tpu.memory_space<hbm>>
        %dma_start3A_239 = tpu.memref_slice %arg3[%mul3A_237] : memref<327680xi32, #tpu.memory_space<hbm>> -> memref<64xi32, #tpu.memory_space<hbm>>
        tpu.enqueue_dma source(%dma_start3A_239 : memref<64xi32, #tpu.memory_space<hbm>>) target(%arg8 : memref<64xi32, #tpu.memory_space<vmem>>) target_semaphore(%arg23 : memref<!tpu.dma_semaphore, #tpu.memory_space<semaphore_mem>>)
        %mul3A_240 = arith.constant 64 : i32
        %mul3A_241 = arith.muli %add3A_235, %mul3A_240 : i32
        %dma_start3A_242 = tpu.memref_slice %arg4[%mul3A_241] : memref<327680xi32, #tpu.memory_space<hbm>> -> memref<64xi32, #tpu.memory_space<hbm>>
        %dma_start3A_243 = tpu.memref_slice %arg4[%mul3A_241] : memref<327680xi32, #tpu.memory_space<hbm>> -> memref<64xi32, #tpu.memory_space<hbm>>
        tpu.enqueue_dma source(%dma_start3A_243 : memref<64xi32, #tpu.memory_space<hbm>>) target(%arg10 : memref<64xi32, #tpu.memory_space<vmem>>) target_semaphore(%arg23 : memref<!tpu.dma_semaphore, #tpu.memory_space<semaphore_mem>>)
      } else {
      }
      %scan3A_225 = arith.constant 0 : i32
      %scan3A_226 = arith.constant 0 : i32
      %scan3A_227 = arith.constant 64 : i32
      %scan3A_228 = arith.addi %scan3A_226, %scan3A_227 : i32
      %scan3A_229 = arith.constant 1 : i32
      scf.for %scan3A_234 = %scan3A_226 to %scan3A_228 step %scan3A_229  : i32 {
        %get3A = arith.index_cast %scan3A_234 : i32 to index
        %get3A_235 = arith.constant 0 : index
        %get3A_236 = tpu.vector_load %arg14[%get3A, %get3A_235] {strides = array<i32>} : memref<64x128xf32, #tpu.memory_space<vmem>>, vector<1x16xf32>,
        %get3A_237 = vector.shape_cast %get3A_236 : vector<1x16xf32> to vector<16xf32>
        %get3A_238 = arith.index_cast %scan3A_234 : i32 to index
        %get3A_239 = arith.constant 0 : index
        %get3A_240 = tpu.vector_load %arg16[%get3A_238, %get3A_239] {strides = array<i32>} : memref<64x128xf32, #tpu.memory_space<vmem>>, vector<1x16xf32>,
        %get3A_241 = vector.shape_cast %get3A_240 : vector<1x16xf32> to vector<16xf32>
        %mul3A_242 = arith.mulf %get3A_237, %get3A_241 : vector<16xf32>
        %swap3A = arith.index_cast %scan3A_234 : i32 to index
        %swap3A_243 = arith.constant 0 : index
        %swap3A_244 = tpu.vector_load %arg14[%swap3A, %swap3A_243] {strides = array<i32>} : memref<64x128xf32, #tpu.memory_space<vmem>>, vector<1x16xf32>,
        %swap3A_245 = vector.shape_cast %swap3A_244 : vector<1x16xf32> to vector<16xf32>
        %swap3A_246 = vector.shape_cast %mul3A_242 : vector<16xf32> to vector<1x16xf32>
        tpu.vector_store %arg14[%swap3A, %swap3A_243], %swap3A_246 {strides = array<i32>} : memref<64x128xf32, #tpu.memory_space<vmem>>, vector<1x16xf32>,
        %get3A_247 = arith.index_cast %scan3A_234 : i32 to index
        %get3A_248 = arith.constant 16 : index
        %get3A_249 = tpu.vector_load %arg14[%get3A_247, %get3A_248] {strides = array<i32>} : memref<64x128xf32, #tpu.memory_space<vmem>>, vector<1x16xf32>,
        %get3A_250 = vector.shape_cast %get3A_249 : vector<1x16xf32> to vector<16xf32>
        %get3A_251 = arith.index_cast %scan3A_234 : i32 to index
        %get3A_252 = arith.constant 16 : index
        %get3A_253 = tpu.vector_load %arg16[%get3A_251, %get3A_252] {strides = array<i32>} : memref<64x128xf32, #tpu.memory_space<vmem>>, vector<1x16xf32>,
        %get3A_254 = vector.shape_cast %get3A_253 : vector<1x16xf32> to vector<16xf32>
        %mul3A_255 = arith.mulf %get3A_250, %get3A_254 : vector<16xf32>
        %swap3A_256 = arith.index_cast %scan3A_234 : i32 to index
        %swap3A_257 = arith.constant 16 : index
        %swap3A_258 = tpu.vector_load %arg14[%swap3A_256, %swap3A_257] {strides = array<i32>} : memref<64x128xf32, #tpu.memory_space<vmem>>, vector<1x16xf32>,
        %swap3A_259 = vector.shape_cast %swap3A_258 : vector<1x16xf32> to vector<16xf32>
        %swap3A_260 = vector.shape_cast %mul3A_255 : vector<16xf32> to vector<1x16xf32>
        tpu.vector_store %arg14[%swap3A_256, %swap3A_257], %swap3A_260 {strides = array<i32>} : memref<64x128xf32, #tpu.memory_space<vmem>>, vector<1x16xf32>,
        %get3A_261 = arith.index_cast %scan3A_234 : i32 to index
        %get3A_262 = arith.constant 32 : index
        %get3A_263 = tpu.vector_load %arg14[%get3A_261, %get3A_262] {strides = array<i32>} : memref<64x128xf32, #tpu.memory_space<vmem>>, vector<1x16xf32>,
        %get3A_264 = vector.shape_cast %get3A_263 : vector<1x16xf32> to vector<16xf32>
        %get3A_265 = arith.index_cast %scan3A_234 : i32 to index
        %get3A_266 = arith.constant 32 : index
        %get3A_267 = tpu.vector_load %arg16[%get3A_265, %get3A_266] {strides = array<i32>} : memref<64x128xf32, #tpu.memory_space<vmem>>, vector<1x16xf32>,
        %get3A_268 = vector.shape_cast %get3A_267 : vector<1x16xf32> to vector<16xf32>
        %mul3A_269 = arith.mulf %get3A_264, %get3A_268 : vector<16xf32>
        %swap3A_270 = arith.index_cast %scan3A_234 : i32 to index
        %swap3A_271 = arith.constant 32 : index
        %swap3A_272 = tpu.vector_load %arg14[%swap3A_270, %swap3A_271] {strides = array<i32>} : memref<64x128xf32, #tpu.memory_space<vmem>>, vector<1x16xf32>,
        %swap3A_273 = vector.shape_cast %swap3A_272 : vector<1x16xf32> to vector<16xf32>
        %swap3A_274 = vector.shape_cast %mul3A_269 : vector<16xf32> to vector<1x16xf32>
        tpu.vector_store %arg14[%swap3A_270, %swap3A_271], %swap3A_274 {strides = array<i32>} : memref<64x128xf32, #tpu.memory_space<vmem>>, vector<1x16xf32>,
        %get3A_275 = arith.index_cast %scan3A_234 : i32 to index
        %get3A_276 = arith.constant 48 : index
        %get3A_277 = tpu.vector_load %arg14[%get3A_275, %get3A_276] {strides = array<i32>} : memref<64x128xf32, #tpu.memory_space<vmem>>, vector<1x16xf32>,
        %get3A_278 = vector.shape_cast %get3A_277 : vector<1x16xf32> to vector<16xf32>
        %get3A_279 = arith.index_cast %scan3A_234 : i32 to index
        %get3A_280 = arith.constant 48 : index
        %get3A_281 = tpu.vector_load %arg16[%get3A_279, %get3A_280] {strides = array<i32>} : memref<64x128xf32, #tpu.memory_space<vmem>>, vector<1x16xf32>,
        %get3A_282 = vector.shape_cast %get3A_281 : vector<1x16xf32> to vector<16xf32>
        %mul3A_283 = arith.mulf %get3A_278, %get3A_282 : vector<16xf32>
        %swap3A_284 = arith.index_cast %scan3A_234 : i32 to index
        %swap3A_285 = arith.constant 48 : index
        %swap3A_286 = tpu.vector_load %arg14[%swap3A_284, %swap3A_285] {strides = array<i32>} : memref<64x128xf32, #tpu.memory_space<vmem>>, vector<1x16xf32>,
        %swap3A_287 = vector.shape_cast %swap3A_286 : vector<1x16xf32> to vector<16xf32>
        %swap3A_288 = vector.shape_cast %mul3A_283 : vector<16xf32> to vector<1x16xf32>
        tpu.vector_store %arg14[%swap3A_284, %swap3A_285], %swap3A_288 {strides = array<i32>} : memref<64x128xf32, #tpu.memory_space<vmem>>, vector<1x16xf32>,
        %get3A_289 = arith.index_cast %scan3A_234 : i32 to index
        %get3A_290 = arith.constant 64 : index
        %get3A_291 = tpu.vector_load %arg14[%get3A_289, %get3A_290] {strides = array<i32>} : memref<64x128xf32, #tpu.memory_space<vmem>>, vector<1x16xf32>,
        %get3A_292 = vector.shape_cast %get3A_291 : vector<1x16xf32> to vector<16xf32>
        %get3A_293 = arith.index_cast %scan3A_234 : i32 to index
        %get3A_294 = arith.constant 64 : index
        %get3A_295 = tpu.vector_load %arg16[%get3A_293, %get3A_294] {strides = array<i32>} : memref<64x128xf32, #tpu.memory_space<vmem>>, vector<1x16xf32>,
        %get3A_296 = vector.shape_cast %get3A_295 : vector<1x16xf32> to vector<16xf32>
        %mul3A_297 = arith.mulf %get3A_292, %get3A_296 : vector<16xf32>
        %swap3A_298 = arith.index_cast %scan3A_234 : i32 to index
        %swap3A_299 = arith.constant 64 : index
        %swap3A_300 = tpu.vector_load %arg14[%swap3A_298, %swap3A_299] {strides = array<i32>} : memref<64x128xf32, #tpu.memory_space<vmem>>, vector<1x16xf32>,
        %swap3A_301 = vector.shape_cast %swap3A_300 : vector<1x16xf32> to vector<16xf32>
        %swap3A_302 = vector.shape_cast %mul3A_297 : vector<16xf32> to vector<1x16xf32>
        tpu.vector_store %arg14[%swap3A_298, %swap3A_299], %swap3A_302 {strides = array<i32>} : memref<64x128xf32, #tpu.memory_space<vmem>>, vector<1x16xf32>,
        %get3A_303 = arith.index_cast %scan3A_234 : i32 to index
        %get3A_304 = arith.constant 80 : index
        %get3A_305 = tpu.vector_load %arg14[%get3A_303, %get3A_304] {strides = array<i32>} : memref<64x128xf32, #tpu.memory_space<vmem>>, vector<1x16xf32>,
        %get3A_306 = vector.shape_cast %get3A_305 : vector<1x16xf32> to vector<16xf32>
        %get3A_307 = arith.index_cast %scan3A_234 : i32 to index
        %get3A_308 = arith.constant 80 : index
        %get3A_309 = tpu.vector_load %arg16[%get3A_307, %get3A_308] {strides = array<i32>} : memref<64x128xf32, #tpu.memory_space<vmem>>, vector<1x16xf32>,
        %get3A_310 = vector.shape_cast %get3A_309 : vector<1x16xf32> to vector<16xf32>
        %mul3A_311 = arith.mulf %get3A_306, %get3A_310 : vector<16xf32>
        %swap3A_312 = arith.index_cast %scan3A_234 : i32 to index
        %swap3A_313 = arith.constant 80 : index
        %swap3A_314 = tpu.vector_load %arg14[%swap3A_312, %swap3A_313] {strides = array<i32>} : memref<64x128xf32, #tpu.memory_space<vmem>>, vector<1x16xf32>,
        %swap3A_315 = vector.shape_cast %swap3A_314 : vector<1x16xf32> to vector<16xf32>
        %swap3A_316 = vector.shape_cast %mul3A_311 : vector<16xf32> to vector<1x16xf32>
        tpu.vector_store %arg14[%swap3A_312, %swap3A_313], %swap3A_316 {strides = array<i32>} : memref<64x128xf32, #tpu.memory_space<vmem>>, vector<1x16xf32>,
        %get3A_317 = arith.index_cast %scan3A_234 : i32 to index
        %get3A_318 = arith.constant 96 : index
        %get3A_319 = tpu.vector_load %arg14[%get3A_317, %get3A_318] {strides = array<i32>} : memref<64x128xf32, #tpu.memory_space<vmem>>, vector<1x16xf32>,
        %get3A_320 = vector.shape_cast %get3A_319 : vector<1x16xf32> to vector<16xf32>
        %get3A_321 = arith.index_cast %scan3A_234 : i32 to index
        %get3A_322 = arith.constant 96 : index
        %get3A_323 = tpu.vector_load %arg16[%get3A_321, %get3A_322] {strides = array<i32>} : memref<64x128xf32, #tpu.memory_space<vmem>>, vector<1x16xf32>,
        %get3A_324 = vector.shape_cast %get3A_323 : vector<1x16xf32> to vector<16xf32>
        %mul3A_325 = arith.mulf %get3A_320, %get3A_324 : vector<16xf32>
        %swap3A_326 = arith.index_cast %scan3A_234 : i32 to index
        %swap3A_327 = arith.constant 96 : index
        %swap3A_328 = tpu.vector_load %arg14[%swap3A_326, %swap3A_327] {strides = array<i32>} : memref<64x128xf32, #tpu.memory_space<vmem>>, vector<1x16xf32>,
        %swap3A_329 = vector.shape_cast %swap3A_328 : vector<1x16xf32> to vector<16xf32>
        %swap3A_330 = vector.shape_cast %mul3A_325 : vector<16xf32> to vector<1x16xf32>
        tpu.vector_store %arg14[%swap3A_326, %swap3A_327], %swap3A_330 {strides = array<i32>} : memref<64x128xf32, #tpu.memory_space<vmem>>, vector<1x16xf32>,
        %get3A_331 = arith.index_cast %scan3A_234 : i32 to index
        %get3A_332 = arith.constant 112 : index
        %get3A_333 = tpu.vector_load %arg14[%get3A_331, %get3A_332] {strides = array<i32>} : memref<64x128xf32, #tpu.memory_space<vmem>>, vector<1x16xf32>,
        %get3A_334 = vector.shape_cast %get3A_333 : vector<1x16xf32> to vector<16xf32>
        %get3A_335 = arith.index_cast %scan3A_234 : i32 to index
        %get3A_336 = arith.constant 112 : index
        %get3A_337 = tpu.vector_load %arg16[%get3A_335, %get3A_336] {strides = array<i32>} : memref<64x128xf32, #tpu.memory_space<vmem>>, vector<1x16xf32>,
        %get3A_338 = vector.shape_cast %get3A_337 : vector<1x16xf32> to vector<16xf32>
        %mul3A_339 = arith.mulf %get3A_334, %get3A_338 : vector<16xf32>
        %swap3A_340 = arith.index_cast %scan3A_234 : i32 to index
        %swap3A_341 = arith.constant 112 : index
        %swap3A_342 = tpu.vector_load %arg14[%swap3A_340, %swap3A_341] {strides = array<i32>} : memref<64x128xf32, #tpu.memory_space<vmem>>, vector<1x16xf32>,
        %swap3A_343 = vector.shape_cast %swap3A_342 : vector<1x16xf32> to vector<16xf32>
        %swap3A_344 = vector.shape_cast %mul3A_339 : vector<16xf32> to vector<1x16xf32>
        tpu.vector_store %arg14[%swap3A_340, %swap3A_341], %swap3A_344 {strides = array<i32>} : memref<64x128xf32, #tpu.memory_space<vmem>>, vector<1x16xf32>,
      }
      %scan3A_230 = arith.constant 64 : i32
      %dma_start3A_231 = arith.constant 0 : i32
      %dma_start3A_232 = arith.constant 0 : i32
      %dma_start3A_233 = tpu.memref_slice %arg17[%dma_start3A_231, %dma_start3A_232] : memref<10000x128xf32, #tpu.memory_space<vmem_shared>> -> memref<10000x128xf32, #tpu.memory_space<vmem_shared>>
      tpu.enqueue_indirect_dma source(%arg14 : memref<64x128xf32, #tpu.memory_space<vmem>>) target(%dma_start3A_233 : memref<10000x128xf32, #tpu.memory_space<vmem_shared>>) offsets(%arg12 : memref<64xi32, #tpu.memory_space<vmem>>) semaphore(%arg25 : memref<!tpu.dma_semaphore, #tpu.memory_space<semaphore_mem>>) {add = true}
    }
    %scan3A_70 = arith.constant 40 : i32
    %dma_wait3A_71 = arith.constant 0 : i32
    %dma_wait3A_72 = arith.constant 0 : i32
    %dma_wait3A_73 = tpu.memref_slice %arg17[%dma_wait3A_71, %dma_wait3A_72] : memref<10000x128xf32, #tpu.memory_space<vmem_shared>> -> memref<10000x128xf32, #tpu.memory_space<vmem_shared>>
    tpu.wait_indirect_dma semaphore(%arg24 : memref<!tpu.dma_semaphore, #tpu.memory_space<semaphore_mem>>) src(%arg13 : memref<64x128xf32, #tpu.memory_space<vmem>>) dst(%dma_wait3A_73 : memref<10000x128xf32, #tpu.memory_space<vmem_shared>>)
    %dma_wait3A_74 = arith.constant 0 : i32
    %dma_wait3A_75 = arith.constant 0 : i32
    %dma_wait3A_76 = tpu.memref_slice %arg17[%dma_wait3A_74, %dma_wait3A_75] : memref<10000x128xf32, #tpu.memory_space<vmem_shared>> -> memref<10000x128xf32, #tpu.memory_space<vmem_shared>>
    tpu.wait_indirect_dma semaphore(%arg25 : memref<!tpu.dma_semaphore, #tpu.memory_space<semaphore_mem>>) src(%arg14 : memref<64x128xf32, #tpu.memory_space<vmem>>) dst(%dma_wait3A_76 : memref<10000x128xf32, #tpu.memory_space<vmem_shared>>)
    %barrier3A_77 = arith.constant 0 : index
    tpu.barrier barrier_id(%barrier3A_77)
    %mul3A_78 = arith.constant 10000 : i32
    %mul3A_79 = arith.muli %arg0, %mul3A_78 : i32
    %add3A_80 = arith.addi %mul3A_79, %mul3A_26 : i32
    "tpu.region"() ({
      %run_scoped3A = tpu.sem_alloc : memref<!tpu.dma_semaphore, #tpu.memory_space<semaphore_mem>>
      %dma_start3A_86 = arith.constant 0 : i32
      %dma_start3A_87 = tpu.memref_slice %arg6[%add3A_80, %dma_start3A_86] : memref<20000x128xf32, #tpu.memory_space<hbm>> -> memref<624x128xf32, #tpu.memory_space<hbm>>
      %dma_start3A_88 = arith.constant 0 : i32
      %dma_start3A_89 = tpu.memref_slice %arg17[%mul3A_26, %dma_start3A_88] : memref<10000x128xf32, #tpu.memory_space<vmem_shared>> -> memref<624x128xf32, #tpu.memory_space<vmem_shared>>
      tpu.enqueue_dma source(%dma_start3A_89 : memref<624x128xf32, #tpu.memory_space<vmem_shared>>) target(%dma_start3A_87 : memref<624x128xf32, #tpu.memory_space<hbm>>) target_semaphore(%run_scoped3A : memref<!tpu.dma_semaphore, #tpu.memory_space<semaphore_mem>>)
      %dma_wait3A_90 = arith.constant 0 : i32
      %dma_wait3A_91 = tpu.memref_slice %arg6[%add3A_80, %dma_wait3A_90] : memref<20000x128xf32, #tpu.memory_space<hbm>> -> memref<624x128xf32, #tpu.memory_space<hbm>>
      %dma_wait3A_92 = arith.constant 0 : i32
      %dma_wait3A_93 = tpu.memref_slice %arg17[%mul3A_26, %dma_wait3A_92] : memref<10000x128xf32, #tpu.memory_space<vmem_shared>> -> memref<624x128xf32, #tpu.memory_space<vmem_shared>>
      tpu.wait_dma2 semaphore(%run_scoped3A : memref<!tpu.dma_semaphore, #tpu.memory_space<semaphore_mem>>) src(%dma_wait3A_93 : memref<624x128xf32, #tpu.memory_space<vmem_shared>>) dst(%dma_wait3A_91 : memref<624x128xf32, #tpu.memory_space<hbm>>)
      tpu.yield
    }) : () -> ()
    %eq3A_81 = arith.constant 15 : i32
    %eq3A_82 = arith.cmpi eq, %arg1, %eq3A_81 : i32
    %convert_element_type3A_83 = arith.extui %eq3A_82 : i1 to i32
    %cond3A_84 = arith.constant 0 : i32
    %cond3A_85 = arith.cmpi ne, %convert_element_type3A_83, %cond3A_84 : i32
    scf.if %cond3A_85 {
      %mul3A_86 = arith.constant 10000 : i32
      %mul3A_87 = arith.muli %arg0, %mul3A_86 : i32
      %add3A_88 = arith.constant 9984 : i32
      %add3A_89 = arith.addi %mul3A_87, %add3A_88 : i32
      "tpu.region"() ({
        %run_scoped3A = tpu.sem_alloc : memref<!tpu.dma_semaphore, #tpu.memory_space<semaphore_mem>>
        %dma_start3A_90 = arith.constant 0 : i32
        %dma_start3A_91 = tpu.memref_slice %arg6[%add3A_89, %dma_start3A_90] : memref<20000x128xf32, #tpu.memory_space<hbm>> -> memref<16x128xf32, #tpu.memory_space<hbm>>
        %dma_start3A_92 = arith.constant 9984 : i32
        %dma_start3A_93 = arith.constant 0 : i32
        %dma_start3A_94 = tpu.memref_slice %arg17[%dma_start3A_92, %dma_start3A_93] : memref<10000x128xf32, #tpu.memory_space<vmem_shared>> -> memref<16x128xf32, #tpu.memory_space<vmem_shared>>
        tpu.enqueue_dma source(%dma_start3A_94 : memref<16x128xf32, #tpu.memory_space<vmem_shared>>) target(%dma_start3A_91 : memref<16x128xf32, #tpu.memory_space<hbm>>) target_semaphore(%run_scoped3A : memref<!tpu.dma_semaphore, #tpu.memory_space<semaphore_mem>>)
        %dma_wait3A_95 = arith.constant 0 : i32
        %dma_wait3A_96 = tpu.memref_slice %arg6[%add3A_89, %dma_wait3A_95] : memref<20000x128xf32, #tpu.memory_space<hbm>> -> memref<16x128xf32, #tpu.memory_space<hbm>>
        %dma_wait3A_97 = arith.constant 9984 : i32
        %dma_wait3A_98 = arith.constant 0 : i32
        %dma_wait3A_99 = tpu.memref_slice %arg17[%dma_wait3A_97, %dma_wait3A_98] : memref<10000x128xf32, #tpu.memory_space<vmem_shared>> -> memref<16x128xf32, #tpu.memory_space<vmem_shared>>
        tpu.wait_dma2 semaphore(%run_scoped3A : memref<!tpu.dma_semaphore, #tpu.memory_space<semaphore_mem>>) src(%dma_wait3A_99 : memref<16x128xf32, #tpu.memory_space<vmem_shared>>) dst(%dma_wait3A_96 : memref<16x128xf32, #tpu.memory_space<hbm>>)
        tpu.yield
      }) : () -> ()
    } else {
    }
    return
  }
}

module attributes {stable_mosaic.version = 14 : i64} {
  func.func @_h_body(%arg0: i32, %arg1: memref<1000x128xf32, #tpu.memory_space<vmem>>, %arg2: memref<128x128xf32, #tpu.memory_space<vmem>>, %arg3: memref<1000x128xf32, #tpu.memory_space<vmem>>) attributes {dimension_semantics = [#tpu.dimension_semantics<arbitrary>], iteration_bounds = array<i64: 10>, scalar_prefetch = 0 : i64, scratch_operands = 0 : i64, tpu.core_type = #tpu.core_type<tc>, window_params = [{transform_indices = @transform_0, window_bounds = array<i64: 1000, 128>}, {pipeline_mode = #tpu.pipeline_mode<synchronous>, transform_indices = @transform_1, window_bounds = array<i64: 128, 128>}, {transform_indices = @transform_2, window_bounds = array<i64: 1000, 128>}]} {
    %get3A = arith.constant 0 : index
    %get3A_0 = arith.constant 0 : index
    %get3A_1 = vector.load %arg1[%get3A, %get3A_0] : memref<1000x128xf32, #tpu.memory_space<vmem>>, vector<1000x128xf32>
    %get3A_2 = arith.constant 0 : index
    %get3A_3 = arith.constant 0 : index
    %get3A_4 = vector.load %arg2[%get3A_2, %get3A_3] : memref<128x128xf32, #tpu.memory_space<vmem>>, vector<128x128xf32>
    %dot_general3A = arith.constant dense<0.000000e+00> : vector<1000x128xf32>
    %dot_general3A_5 = tpu.matmul %get3A_1, %get3A_4, %dot_general3A {dimension_numbers = #tpu.dot_dimension_numbers<[1], [0], [0], [1], [0, 0, 1, 1], [], []>, transpose_lhs_hint = false} : vector<1000x128xf32>, vector<128x128xf32>, vector<1000x128xf32> -> vector<1000x128xf32>
    %swap3A = arith.constant 0 : index
    %swap3A_6 = arith.constant 0 : index
    %swap3A_7 = vector.load %arg3[%swap3A, %swap3A_6] : memref<1000x128xf32, #tpu.memory_space<vmem>>, vector<1000x128xf32>
    tpu.vector_store %arg3[%swap3A, %swap3A_6], %dot_general3A_5 {strides = array<i32>} : memref<1000x128xf32, #tpu.memory_space<vmem>>, vector<1000x128xf32>,
    return
  }
  func.func @transform_0(%arg0: i32) -> (i32, i32) {
    %c0_i32 = arith.constant 0 : i32
    %c0_i32_0 = arith.constant 0 : i32
    return %arg0, %c0_i32 : i32, i32
  }
  func.func @transform_1(%arg0: i32) -> (i32, i32) {
    %c0_i32 = arith.constant 0 : i32
    %c0_i32_0 = arith.constant 0 : i32
    %c0_i32_1 = arith.constant 0 : i32
    return %c0_i32, %c0_i32_0 : i32, i32
  }
  func.func @transform_2(%arg0: i32) -> (i32, i32) {
    %c0_i32 = arith.constant 0 : i32
    %c0_i32_0 = arith.constant 0 : i32
    return %arg0, %c0_i32 : i32, i32
  }
}

module attributes {stable_mosaic.version = 14 : i64} {
  func.func @_we_body(%arg0: i32, %arg1: memref<4096x16xf32, #tpu.memory_space<vmem>>, %arg2: memref<4096x1xf32, #tpu.memory_space<vmem>>, %arg3: memref<16x64xf32, #tpu.memory_space<vmem>>, %arg4: memref<1x64xf32, #tpu.memory_space<vmem>>, %arg5: memref<64x128xf32, #tpu.memory_space<vmem>>, %arg6: memref<4096x128xf32, #tpu.memory_space<vmem>>) attributes {dimension_semantics = [#tpu.dimension_semantics<arbitrary>], iteration_bounds = array<i64: 80>, scalar_prefetch = 0 : i64, scratch_operands = 0 : i64, tpu.core_type = #tpu.core_type<tc>, window_params = [{transform_indices = @transform_0, window_bounds = array<i64: 4096, 16>}, {transform_indices = @transform_1, window_bounds = array<i64: 4096, 1>}, {pipeline_mode = #tpu.pipeline_mode<synchronous>, transform_indices = @transform_2, window_bounds = array<i64: 16, 64>}, {pipeline_mode = #tpu.pipeline_mode<synchronous>, transform_indices = @transform_3, window_bounds = array<i64: 1, 64>}, {pipeline_mode = #tpu.pipeline_mode<synchronous>, transform_indices = @transform_4, window_bounds = array<i64: 64, 128>}, {transform_indices = @transform_5, window_bounds = array<i64: 4096, 128>}]} {
    %get3A = arith.constant 0 : index
    %get3A_0 = arith.constant 0 : index
    %get3A_1 = vector.load %arg1[%get3A, %get3A_0] : memref<4096x16xf32, #tpu.memory_space<vmem>>, vector<4096x16xf32>
    %get3A_2 = arith.constant 0 : index
    %get3A_3 = arith.constant 0 : index
    %get3A_4 = vector.load %arg3[%get3A_2, %get3A_3] : memref<16x64xf32, #tpu.memory_space<vmem>>, vector<16x64xf32>
    %dot_general3A = arith.constant dense<0.000000e+00> : vector<4096x64xf32>
    %dot_general3A_5 = tpu.matmul %get3A_1, %get3A_4, %dot_general3A {dimension_numbers = #tpu.dot_dimension_numbers<[1], [0], [0], [1], [0, 0, 1, 1], [], []>, transpose_lhs_hint = false} : vector<4096x16xf32>, vector<16x64xf32>, vector<4096x64xf32> -> vector<4096x64xf32>
    %get3A_6 = arith.constant 0 : index
    %get3A_7 = arith.constant 0 : index
    %get3A_8 = vector.load %arg4[%get3A_6, %get3A_7] : memref<1x64xf32, #tpu.memory_space<vmem>>, vector<1x64xf32>
    %add3A = vector.broadcast %get3A_8 : vector<1x64xf32> to vector<4096x64xf32>
    %add3A_9 = arith.addf %dot_general3A_5, %add3A : vector<4096x64xf32>
    %max3A = arith.constant 0.000000e+00 : f32
    %max3A_10 = vector.broadcast %max3A : f32 to vector<4096x64xf32>
    %max3A_11 = arith.maximumf %add3A_9, %max3A_10 : vector<4096x64xf32>
    %abs3A = math.absf %add3A_9 : vector<4096x64xf32>
    %neg3A = arith.constant 0.000000e+00 : f32
    %neg3A_12 = vector.broadcast %neg3A : f32 to vector<4096x64xf32>
    %neg3A_13 = arith.subf %neg3A_12, %abs3A : vector<4096x64xf32>
    %exp3A = math.exp %neg3A_13 : vector<4096x64xf32>
    %log1p3A = math.log1p %exp3A : vector<4096x64xf32>
    %add3A_14 = arith.addf %max3A_11, %log1p3A : vector<4096x64xf32>
    %sub3A = arith.constant 0.693147182 : f32
    %sub3A_15 = vector.broadcast %sub3A : f32 to vector<4096x64xf32>
    %sub3A_16 = arith.subf %add3A_14, %sub3A_15 : vector<4096x64xf32>
    %get3A_17 = arith.constant 0 : index
    %get3A_18 = arith.constant 0 : index
    %get3A_19 = vector.load %arg2[%get3A_17, %get3A_18] : memref<4096x1xf32, #tpu.memory_space<vmem>>, vector<4096x1xf32>
    %mul3A = vector.broadcast %get3A_19 : vector<4096x1xf32> to vector<4096x64xf32>
    %mul3A_20 = arith.mulf %sub3A_16, %mul3A : vector<4096x64xf32>
    %get3A_21 = arith.constant 0 : index
    %get3A_22 = arith.constant 0 : index
    %get3A_23 = vector.load %arg5[%get3A_21, %get3A_22] : memref<64x128xf32, #tpu.memory_space<vmem>>, vector<64x128xf32>
    %dot_general3A_24 = arith.constant dense<0.000000e+00> : vector<4096x128xf32>
    %dot_general3A_25 = tpu.matmul %mul3A_20, %get3A_23, %dot_general3A_24 {dimension_numbers = #tpu.dot_dimension_numbers<[1], [0], [0], [1], [0, 0, 1, 1], [], []>, transpose_lhs_hint = false} : vector<4096x64xf32>, vector<64x128xf32>, vector<4096x128xf32> -> vector<4096x128xf32>
    %swap3A = arith.constant 0 : index
    %swap3A_26 = arith.constant 0 : index
    %swap3A_27 = vector.load %arg6[%swap3A, %swap3A_26] : memref<4096x128xf32, #tpu.memory_space<vmem>>, vector<4096x128xf32>
    tpu.vector_store %arg6[%swap3A, %swap3A_26], %dot_general3A_25 {strides = array<i32>} : memref<4096x128xf32, #tpu.memory_space<vmem>>, vector<4096x128xf32>,
    return
  }
  func.func @transform_0(%arg0: i32) -> (i32, i32) {
    %c0_i32 = arith.constant 0 : i32
    %c0_i32_0 = arith.constant 0 : i32
    return %arg0, %c0_i32 : i32, i32
  }
  func.func @transform_1(%arg0: i32) -> (i32, i32) {
    %c0_i32 = arith.constant 0 : i32
    %c0_i32_0 = arith.constant 0 : i32
    return %arg0, %c0_i32 : i32, i32
  }
  func.func @transform_2(%arg0: i32) -> (i32, i32) {
    %c0_i32 = arith.constant 0 : i32
    %c0_i32_0 = arith.constant 0 : i32
    %c0_i32_1 = arith.constant 0 : i32
    return %c0_i32, %c0_i32_0 : i32, i32
  }
  func.func @transform_3(%arg0: i32) -> (i32, i32) {
    %c0_i32 = arith.constant 0 : i32
    %c0_i32_0 = arith.constant 0 : i32
    %c0_i32_1 = arith.constant 0 : i32
    return %c0_i32, %c0_i32_0 : i32, i32
  }
  func.func @transform_4(%arg0: i32) -> (i32, i32) {
    %c0_i32 = arith.constant 0 : i32
    %c0_i32_0 = arith.constant 0 : i32
    %c0_i32_1 = arith.constant 0 : i32
    return %c0_i32, %c0_i32_0 : i32, i32
  }
  func.func @transform_5(%arg0: i32) -> (i32, i32) {
    %c0_i32 = arith.constant 0 : i32
    %c0_i32_0 = arith.constant 0 : i32
    return %arg0, %c0_i32 : i32, i32
  }
}

module attributes {stable_mosaic.version = 14 : i64} {
  func.func @_out_body(%arg0: i32, %arg1: memref<1000x128xf32, #tpu.memory_space<vmem>>, %arg2: memref<1000x128xf32, #tpu.memory_space<vmem>>, %arg3: memref<1000x128xf32, #tpu.memory_space<vmem>>, %arg4: memref<128x128xf32, #tpu.memory_space<vmem>>, %arg5: memref<128x128xf32, #tpu.memory_space<vmem>>, %arg6: memref<1000x128xf32, #tpu.memory_space<vmem>>) attributes {dimension_semantics = [#tpu.dimension_semantics<arbitrary>], iteration_bounds = array<i64: 10>, scalar_prefetch = 0 : i64, scratch_operands = 0 : i64, tpu.core_type = #tpu.core_type<tc>, window_params = [{transform_indices = @transform_0, window_bounds = array<i64: 1000, 128>}, {transform_indices = @transform_1, window_bounds = array<i64: 1000, 128>}, {transform_indices = @transform_2, window_bounds = array<i64: 1000, 128>}, {pipeline_mode = #tpu.pipeline_mode<synchronous>, transform_indices = @transform_3, window_bounds = array<i64: 128, 128>}, {pipeline_mode = #tpu.pipeline_mode<synchronous>, transform_indices = @transform_4, window_bounds = array<i64: 128, 128>}, {transform_indices = @transform_5, window_bounds = array<i64: 1000, 128>}]} {
    %get3A = arith.constant 0 : index
    %get3A_0 = arith.constant 0 : index
    %get3A_1 = vector.load %arg1[%get3A, %get3A_0] : memref<1000x128xf32, #tpu.memory_space<vmem>>, vector<1000x128xf32>
    %get3A_2 = arith.constant 0 : index
    %get3A_3 = arith.constant 0 : index
    %get3A_4 = vector.load %arg2[%get3A_2, %get3A_3] : memref<1000x128xf32, #tpu.memory_space<vmem>>, vector<1000x128xf32>
    %add3A = arith.addf %get3A_1, %get3A_4 : vector<1000x128xf32>
    %get3A_5 = arith.constant 0 : index
    %get3A_6 = arith.constant 0 : index
    %get3A_7 = vector.load %arg4[%get3A_5, %get3A_6] : memref<128x128xf32, #tpu.memory_space<vmem>>, vector<128x128xf32>
    %dot_general3A = arith.constant dense<0.000000e+00> : vector<1000x128xf32>
    %dot_general3A_8 = tpu.matmul %add3A, %get3A_7, %dot_general3A {dimension_numbers = #tpu.dot_dimension_numbers<[1], [0], [0], [1], [0, 0, 1, 1], [], []>, transpose_lhs_hint = false} : vector<1000x128xf32>, vector<128x128xf32>, vector<1000x128xf32> -> vector<1000x128xf32>
    %get3A_9 = arith.constant 0 : index
    %get3A_10 = arith.constant 0 : index
    %get3A_11 = vector.load %arg3[%get3A_9, %get3A_10] : memref<1000x128xf32, #tpu.memory_space<vmem>>, vector<1000x128xf32>
    %get3A_12 = arith.constant 0 : index
    %get3A_13 = arith.constant 0 : index
    %get3A_14 = vector.load %arg5[%get3A_12, %get3A_13] : memref<128x128xf32, #tpu.memory_space<vmem>>, vector<128x128xf32>
    %dot_general3A_15 = arith.constant dense<0.000000e+00> : vector<1000x128xf32>
    %dot_general3A_16 = tpu.matmul %get3A_11, %get3A_14, %dot_general3A_15 {dimension_numbers = #tpu.dot_dimension_numbers<[1], [0], [0], [1], [0, 0, 1, 1], [], []>, transpose_lhs_hint = false} : vector<1000x128xf32>, vector<128x128xf32>, vector<1000x128xf32> -> vector<1000x128xf32>
    %add3A_17 = arith.addf %dot_general3A_8, %dot_general3A_16 : vector<1000x128xf32>
    %get3A_18 = arith.constant 0 : index
    %get3A_19 = arith.constant 0 : index
    %get3A_20 = vector.load %arg3[%get3A_18, %get3A_19] : memref<1000x128xf32, #tpu.memory_space<vmem>>, vector<1000x128xf32>
    %max3A = arith.constant 0.000000e+00 : f32
    %max3A_21 = vector.broadcast %max3A : f32 to vector<1000x128xf32>
    %max3A_22 = arith.maximumf %add3A_17, %max3A_21 : vector<1000x128xf32>
    %abs3A = math.absf %add3A_17 : vector<1000x128xf32>
    %neg3A = arith.constant 0.000000e+00 : f32
    %neg3A_23 = vector.broadcast %neg3A : f32 to vector<1000x128xf32>
    %neg3A_24 = arith.subf %neg3A_23, %abs3A : vector<1000x128xf32>
    %exp3A = math.exp %neg3A_24 : vector<1000x128xf32>
    %log1p3A = math.log1p %exp3A : vector<1000x128xf32>
    %add3A_25 = arith.addf %max3A_22, %log1p3A : vector<1000x128xf32>
    %sub3A = arith.constant 0.693147182 : f32
    %sub3A_26 = vector.broadcast %sub3A : f32 to vector<1000x128xf32>
    %sub3A_27 = arith.subf %add3A_25, %sub3A_26 : vector<1000x128xf32>
    %add3A_28 = arith.addf %get3A_20, %sub3A_27 : vector<1000x128xf32>
    %swap3A = arith.constant 0 : index
    %swap3A_29 = arith.constant 0 : index
    %swap3A_30 = vector.load %arg6[%swap3A, %swap3A_29] : memref<1000x128xf32, #tpu.memory_space<vmem>>, vector<1000x128xf32>
    tpu.vector_store %arg6[%swap3A, %swap3A_29], %add3A_28 {strides = array<i32>} : memref<1000x128xf32, #tpu.memory_space<vmem>>, vector<1000x128xf32>,
    return
  }
  func.func @transform_0(%arg0: i32) -> (i32, i32) {
    %c0_i32 = arith.constant 0 : i32
    %c0_i32_0 = arith.constant 0 : i32
    return %arg0, %c0_i32 : i32, i32
  }
  func.func @transform_1(%arg0: i32) -> (i32, i32) {
    %c0_i32 = arith.constant 0 : i32
    %c0_i32_0 = arith.constant 0 : i32
    return %arg0, %c0_i32 : i32, i32
  }
  func.func @transform_2(%arg0: i32) -> (i32, i32) {
    %c0_i32 = arith.constant 0 : i32
    %c0_i32_0 = arith.constant 0 : i32
    return %arg0, %c0_i32 : i32, i32
  }
  func.func @transform_3(%arg0: i32) -> (i32, i32) {
    %c0_i32 = arith.constant 0 : i32
    %c0_i32_0 = arith.constant 0 : i32
    %c0_i32_1 = arith.constant 0 : i32
    return %c0_i32, %c0_i32_0 : i32, i32
  }
  func.func @transform_4(%arg0: i32) -> (i32, i32) {
    %c0_i32 = arith.constant 0 : i32
    %c0_i32_0 = arith.constant 0 : i32
    %c0_i32_1 = arith.constant 0 : i32
    return %c0_i32, %c0_i32_0 : i32, i32
  }
  func.func @transform_5(%arg0: i32) -> (i32, i32) {
    %c0_i32 = arith.constant 0 : i32
    %c0_i32_0 = arith.constant 0 : i32
    return %arg0, %c0_i32 : i32, i32
  }
}

</mosaic_0001>

<sc_bundles>
// kernel: kernel.6.cloned.1.call-start
scs
__scs_entry_jumppad:
0x0: {  	(pc) =	sbr.rel $0x88, $3  }
0x1: {  	(tag) =	ssettag $0x0;
	lr =	simm.s32 $0x1  }
0x2: {  	[smem:$0x3F97] =	sst lr;
	_ =	strace $0xD0000000  }
0x3: {  	_ = 	snop  }
0x4: {  	_ = 	snop  }
0x5: {  	_ = 	snop  }
0x6: {  	_ = 	snop  }
0x7: {  	_ = 	snop  }
__scs_overlays_trampoline_lowered:
0x8: {  	[smem:$0x3FA6] =	sst s0  }
0x9: {  	[smem:$0x3FA7] =	sst s1  }
0xa: {  	[smem:$0x3FA8] =	sst s2  }
0xb: {  	[smem:$0x3FA9] =	sst s3  }
0xc: {  	[smem:$0x3FAA] =	sst s4  }
0xd: {  	[smem:$0x3FAB] =	sst s5  }
0xe: {  	[smem:$0x3FAC] =	sst s6  }
0xf: {  	[smem:$0x3FAD] =	sst s7  }
0x10: {  	[smem:$0x3FAE] =	sst s8  }
0x11: {  	[smem:$0x3FAF] =	sst s9;
	s0 =	simm.s32 @!p0 $0x0  }
0x12: {  	s1 =	sld [smem:$0x3F95];
	s0 =	simm.s32 @p0 $0x1  }
0x13: {  	[smem:$0x3FB0] =	sst s0;
	s0 =	simm.s32 @!p1 $0x0  }
0x14: {  	s2 =	sld [smem:$0x3F94];
	s0 =	simm.s32 @p1 $0x1  }
0x15: {  	[smem:$0x3FB1] =	sst s0;
	s0 =	simm.s32 @!p2 $0x0  }
0x16: {  	s3 =	sld [smem:$0x3FDB];
	s0 =	simm.s32 @p2 $0x1  }
0x17: {  	s4 =	simm.s32 $0x1BF5;
	[smem:$0x3FB3] =	sst s0  }
0x18: {  	s0 =	sld [smem:$0x3F96];
	_ =	swait.ge [sflag:s4], $0x0  }
0x19: {  	s7 =	sld [smem:$0x3F97]  }
0x1a: {  	s8 =	sadd.s32 $0xFFFFE003, lr  }
0x1b: {  	s9 =	sadd.s32 $0xFFFFFEF7, lr;
	s5 =	simm.s32 $0xFFFFFFFF;
	p2 =	slt.u32 s8, $0xFFFFF086  }
0x1c: {  	p1 =	slt.u32 s9, $0xF7A;
	s5 =	simm.s32 @!p2 $0x0  }
0x1d: {  	s5 =	simm.s32 @p1 $0x1;
	p0 =	seq.s32 s7, s2  }
0x1e: {  	s7 =	smul.u32 @!p0 $0xF7A, s2;
	p2 =	seq.s32 @!p0 s5, $0x0  }
0x1f: {  	s9 =	smul.u32 $0xF7A, s1;
	s8 =	simm.s32 @!p0 $0x1BF5;
	p2 =	por !p2, p0  }
0x20: {  	[sflag:s8] =	ssyncset.s32 @!p0 $0xFFFFF086;
	s6 =	sadd.s32 @!p0 s3, s7;
	s7 =	simm.s32 @!p0 $0x108  }
0x21: {  	s3 =	sadd.s32 s3, s9;
	s6 =	sadd.s32 @!p0 $0x88, s6;
	s7 =	simm.s32 @p2 $0x1082  }
0x22: {  	[simem:s7], [sflag:s8] =	dma.local @!p0 [hbm:s6], $0xF7A  }
0x23: {  	s9 =	sor.u32 $0xD0000000, s2;
	s6 =	simm.s32 $0x108;
	_ =	swait.ge @!p0 [sflag:s8], $0x0  }
0x24: {  	s3 =	sadd.s32 $0x88, s3;
	s6 =	simm.s32 @!p1 $0x1082;
	[sflag:s4] =	ssyncset.s32 $0xFFFFF086  }
0x25: {  	[simem:s6], [sflag:s4] =	dma.local [hbm:s3], $0xF7A  }
0x26: {  	[smem:$0x3F97] =	sst s1;
	(tag) =	ssettag s2;
	_ =	strace s9  }
0x27: {  	s1 =	sld [smem:$0x3FA7]  }
0x28: {  	s2 =	sld [smem:$0x3FA8]  }
0x29: {  	s4 =	sld [smem:$0x3FAA]  }
0x2a: {  	p0 =	seq.s32 s5, $0x0;
	s5 =	sld [smem:$0x3FAB]  }
0x2b: {  	s6 =	sld [smem:$0x3FAC]  }
0x2c: {  	s7 =	sld [smem:$0x3FAD]  }
0x2d: {  	s3 =	simm.s32 $0x108;
	s8 =	sld [smem:$0x3FAE]  }
0x2e: {  	s3 =	simm.s32 @!p0 $0x1082;
	s9 =	sld [smem:$0x3FAF]  }
0x2f: {  	lr =	sadd.s32 s0, s3;
	s0 =	sld [smem:$0x3FA6]  }
0x30: {  	s3 =	sld [smem:$0x3FA9]  }
0x31: {  	[smem:$0x3FB2] =	sst s10  }
0x32: {  	s10 =	sld [smem:$0x3FB0];
	_ =	sdelay $0x3  }
0x33: {  	p0 =	seq.s32 s10, $0x1;
	s10 =	sld [smem:$0x3FB2];
	_ =	sdelay $0x3  }
0x34: {  	[smem:$0x3FB2] =	sst s10  }
0x35: {  	s10 =	sld [smem:$0x3FB1];
	_ =	sdelay $0x3  }
0x36: {  	p1 =	seq.s32 s10, $0x1;
	s10 =	sld [smem:$0x3FB2];
	_ =	sdelay $0x3  }
0x37: {  	[smem:$0x3FB2] =	sst s10  }
0x38: {  	s10 =	sld [smem:$0x3FB3]  }
0x39: {  	_ = 	snop;
	(pc) =	sbr.ind lr, $3  }
0x3a: {  	_ = 	snop  }
0x3b: {  	_ = 	snop  }
0x3c: {  	p2 =	seq.s32 s10, $0x1;
	s10 =	sld [smem:$0x3FB2]  }
0x3d: {  	_ =	shalt  }
0x3e: {  	_ =	shalt  }
0x3f: {  	_ =	shalt  }
0x40: {  	_ =	shalt  }
0x41: {  	_ =	shalt  }
0x42: {  	_ =	shalt  }
0x43: {  	_ =	shalt  }
0x44: {  	_ =	shalt  }
0x45: {  	_ =	shalt  }
0x46: {  	_ =	shalt  }
0x47: {  	_ =	shalt  }
0x48: {  	_ =	shalt  }
0x49: {  	_ =	shalt  }
0x4a: {  	_ =	shalt  }
0x4b: {  	_ =	shalt  }
0x4c: {  	_ =	shalt  }
0x4d: {  	_ =	shalt  }
0x4e: {  	_ =	shalt  }
0x4f: {  	_ =	shalt  }
0x50: {  	_ =	shalt  }
0x51: {  	_ =	shalt  }
0x52: {  	_ =	shalt  }
0x53: {  	_ =	shalt  }
0x54: {  	_ =	shalt  }
0x55: {  	_ =	shalt  }
0x56: {  	_ =	shalt  }
0x57: {  	_ =	shalt  }
0x58: {  	_ =	shalt  }
0x59: {  	_ =	shalt  }
0x5a: {  	_ =	shalt  }
0x5b: {  	_ =	shalt  }
0x5c: {  	_ =	shalt  }
0x5d: {  	_ =	shalt  }
0x5e: {  	_ =	shalt  }
0x5f: {  	_ =	shalt  }
0x60: {  	_ =	shalt  }
0x61: {  	_ =	shalt  }
0x62: {  	_ =	shalt  }
0x63: {  	_ =	shalt  }
0x64: {  	_ =	shalt  }
0x65: {  	_ =	shalt  }
0x66: {  	_ =	shalt  }
0x67: {  	_ =	shalt  }
0x68: {  	_ =	shalt  }
0x69: {  	_ =	shalt  }
0x6a: {  	_ =	shalt  }
0x6b: {  	_ =	shalt  }
0x6c: {  	_ =	shalt  }
0x6d: {  	_ =	shalt  }
0x6e: {  	_ =	shalt  }
0x6f: {  	_ =	shalt  }
0x70: {  	_ =	shalt  }
0x71: {  	_ =	shalt  }
0x72: {  	_ =	shalt  }
0x73: {  	_ =	shalt  }
0x74: {  	_ =	shalt  }
0x75: {  	_ =	shalt  }
0x76: {  	_ =	shalt  }
0x77: {  	_ =	shalt  }
0x78: {  	_ =	shalt  }
0x79: {  	_ =	shalt  }
0x7a: {  	_ =	shalt  }
0x7b: {  	_ =	shalt  }
0x7c: {  	_ =	shalt  }
0x7d: {  	_ =	shalt  }
0x7e: {  	_ =	shalt  }
0x7f: {  	_ =	shalt  }
0x80: {  	_ =	shalt  }
0x81: {  	_ =	shalt  }
0x82: {  	_ =	shalt  }
0x83: {  	_ =	shalt  }
0x84: {  	_ =	shalt  }
0x85: {  	_ =	shalt  }
0x86: {  	_ =	shalt  }
0x87: {  	_ =	shalt  }
.Lfunc_end0:
.L_simem_size_0:
called_computation_lowered:
.L_overlay_start_0:
0x88: {  	s2 =	sld [smem:$0x3FD9]  }
0x89: {  	s3 =	sld [smem:$0x3FFE];
	_ =	sdelay $0x1  }
0x8a: {  	s1 =	srdreg.scid  }
0x8b: {  	s0 =	sand.u32 $0x1, s1  }
0x8c: {  	s17 =	sshll.u32 s0, $0xA;
	s2 =	sadd.s32 s3, s2  }
0x8d: {  	s2 =	sadd.s32 s2, s17  }
0x8e: {  	[smem:$0x3FBE] =	sst s2  }
0x8f: {  	_ = 	snop  }
0x90: {  	s2 =	sld [smem:$0x3FD0];
	(tm) =	ssettm $0x1  }
0x91: {  	s18 =	sld [smem:$0x3FFB];
	_ =	sdelay $0x3  }
0x92: {  	_ =	strace s18  }
0x93: {  	s3 =	sld [smem:$0x3FFC];
	_ =	sdelay $0x3  }
0x94: {  	_ =	strace s3  }
0x95: {  	s3 =	sld [smem:$0x3FFD];
	_ =	sdelay $0x3  }
0x96: {  	_ =	strace s3  }
0x97: {  	_ =	strace $0x8FFFFFFF  }
0x98: {  	s19 =	sld [smem:$0x3FDB];
	_ =	sdelay $0x1  }
0x99: {  	s4 =	simm.s32 $_scs_section_size  }
0x9a: {  	s5 =	simm.s32 $_size__tile_overlayer_lowered;
	s6 =	simm.s32 $_tile_overlayer_lowered  }
0x9b: {  	s22 =	simm.s32 $0x1BFF;
	s21 =	sshll.u32 s6, $0x1;
	s3 =	sadd.s32 s4, s19  }
0x9c: {  	s7 =	simm.s32 $0x0;
	s20 =	sshll.u32 s5, $0x1;
	s5 =	sadd.s32 s21, s3  }
0x9d: {  	[timem:s7], [sflag:s22] =	dma.local [hbm:s5], s20  }
0x9e: {  	_ =	swait.ge [sflag:s22], s20  }
0x9f: {  	s4 =	ssub.s32 $0x0, s20;
	[sflag:s22] =	ssyncset.done $0x0  }
0xa0: {  	[sflag:s22] =	ssyncadd.s32 s4;
	_ =	sdelay $0x1  }
0xa1: {  	s23 =	simm.s32 $0x1B8B  }
0xa2: {  	_ =	swait.ge [sflag:s23], $0x1  }
0xa3: {  	[sflag:s23] =	ssyncset.done $0x0  }
0xa4: {  	s25 =	simm.s32 $0x1B8E;
	s24 =	sld [smem:$0x3FFE];
	[sflag:s23] =	ssyncadd.s32 $0xFFFFFFFF  }
0xa5: {  	s26 =	simm.s32 $execute0_lowered;
	[smem:$0x3FD2] =	sst s25  }
0xa6: {  	s5 =	sshll.u32 s26, $0x1;
	_ =	strace $0x80000046;
	[dreg:$0x1] =	wrdreg $0xFFFFFFFF  }
0xa7: {  	s28 =	simm.s32 $_size_execute0_lowered;
	s3 =	sadd.s32 s3, s5;
	[dreg:$0x0] =	wrdreg $0x0  }
0xa8: {  	s5 =	sshll.u32 s28, $0x1;
	[dreg:$0x2] =	wrdreg s3  }
0xa9: {  	[dreg:$0x3] =	wrdreg s5  }
0xaa: {  	[dreg:$0x4] =	wrdreg $0xC0  }
0xab: {  	_ =	task [dreg:s7], $0x5FFFF  }
0xac: {  	[dreg:$0x1] =	wrdreg $0xFFFFFFFF  }
0xad: {  	[dreg:$0x0] =	wrdreg $0x60  }
0xae: {  	[dreg:$0x2] =	wrdreg s2  }
0xaf: {  	[dreg:$0x3] =	wrdreg s24  }
0xb0: {  	[dreg:$0x4] =	wrdreg $0x83000  }
0xb1: {  	[dreg:$0x5] =	wrdreg $0x9  }
0xb2: {  	_ =	task.clear_ibuf [dreg:s7], $0x6FFFF;
	_ =	strace $0x90000046  }
0xb3: {  	s29 =	simm.s32 $0x9;
	_ =	strace $0x80000048  }
0xb4: {  	_ =	swait.ge [sflag:s29], $0x1  }
0xb5: {  	[sflag:s29] =	ssyncadd.s32 $0xFFFFFFFF  }
0xb6: {  	_ =	strace $0x90000048  }
0xb7: {  	_ =	sfence  }
0xb8: {  	s30 =	sld [smem:$0x0];
	_ =	sdelay $0x2  }
0xb9: {  	s31 =	sshll.u32 s1, $0xD;
	s1 =	sshrl.u32 s1, $0x2  }
0xba: {  	s3 =	sand.u32 $0x4000, s31;
	s1 =	sadd.s32 s1, s30  }
0xbb: {  	s0 =	sor.u32 s3, s0;
	s1 =	sshll.u32 s1, $0x11  }
0xbc: {  	s0 =	sor.u32 s1, s0  }
0xbd: {  	s0 =	sadd.s32 $0x8F2B, s0  }
0xbe: {  	[sflag:s0] =	ssyncadd.remote.s32 $0x1  }
0xbf: {  	_ =	sfence.sel $0xFFFF  }
0xc0: {  	[dreg:$0x0] =	wrdreg $0xFFFFFFFF;
	(pc) =	sbr.abs _section_cstart, $3  }
0xc1: {  	[dreg:$0x1] =	wrdreg $0xFFFFFFFF  }
0xc2: {  	_ =	task.clear_ibuf [dreg:s7], $0x2FFFF;
	_ =	strace $0x9FFFFFFF  }
0xc3: {  	(tm) =	ssettm $0x7FFFFFFF  }
tec
execute0_lowered:
.L_overlay_start_1:
0x0: {  	(tag) =	ssettag $0x1  }
0x1: {  	s0 =	rddreg [dreg:$0x0]  }
0x2: {  	s2 =	rddreg [dreg:$0x1]  }
0x3: {  	s1 =	srdreg.scid;
	s3 =	rddreg [dreg:$0x2]  }
0x4: {  	s14 =	stileid.u32;
	s4 =	simm.s32 $0x0;
	s30 =	simm.s32 $0x80  }
0x5: {  	s1 =	sand.u32 $0x1, s1;
	[smem:$0x7FF] =	sst s4;
	s13 =	smul.u32 $0x4E000, s14  }
0x6: {  	s6 =	sadd.s32 $0xB800, s2;
	s11 =	sadd.s32 $0x515800, s2;
	s17 =	smul.u32 $0x2700, s14  }
0x7: {  	p0 =	sne.s32 s14, $0xF;
	s28 =	sadd.s32 $0x138000, s3;
	s5 =	sshll.u32 s1, $0x4  }
0x8: {  	_ =	strace $0x80000047;
	s9 =	ssub.s32 $0x2, s1;
	s19 =	smul.u32 $0x27100, s1  }
0x9: {  	s1 =	smul.u32 $0x138800, s1;
	[dreg:$0x16] =	wrdreg s28;
	s7 =	sor.u32 s14, s5  }
0xa: {  	s5 =	sadd.s32 $0x1800, s2;
	s12 =	sshrl.u32 s9, $0x1;
	s15 =	sshrl.u32 s13, $0x2  }
0xb: {  	s13 =	simm.s32 $0x2300;
	s14 =	simm.s32 $0x6300;
	s8 =	smul.u32 $0x28000, s7  }
0xc: {  	s10 =	smul.u32 $0x500, s7;
	s9 =	ssub.s32 s9, s12;
	s25 =	sadd.s32 s15, s3  }
0xd: {  	s7 =	smul.u32 $0xA0, s7;
	s18 =	sadd.s32 $0x2000, s25;
	[dreg:$0x7] =	wrdreg s25  }
0xe: {  	s1 =	sshrl.u32 s1, $0x3;
	s12 =	sadd.s32 $0x4000, s25;
	[dreg:$0x9] =	wrdreg s18  }
0xf: {  	s15 =	simm.s32 $0x1;
	s20 =	sadd.s32 $0x6000, s25;
	[dreg:$0xa] =	wrdreg s12  }
0x10: {  	s21 =	sadd.s32 $0x8000, s25;
	s22 =	sadd.s32 $0xA000, s25;
	[dreg:$0xb] =	wrdreg s20  }
0x11: {  	s23 =	sadd.s32 $0xC000, s25;
	s24 =	sadd.s32 $0xE000, s25;
	[dreg:$0xc] =	wrdreg s21  }
0x12: {  	s1 =	sadd.s32 s11, s1;
	s26 =	sadd.s32 $0x10000, s25;
	[dreg:$0xd] =	wrdreg s22  }
0x13: {  	s8 =	sadd.s32 s8, s2;
	s29 =	sadd.s32 s5, s10;
	[dreg:$0xe] =	wrdreg s23  }
0x14: {  	s31 =	sadd.s32 s6, s10;
	s10 =	sor.u32 $0x8, s10;
	[dreg:$0xf] =	wrdreg s24  }
0x15: {  	[dreg:$0x11] =	wrdreg s26;
	s23 =	sadd.s32 $0x15C00, s2;
	s1 =	sadd.s32 $0x27000, s1  }
0x16: {  	s2 =	simm.s32 $0x9;
	s12 =	simm.s32 $0x6;
	[dreg:$0x4] =	wrdreg s29  }
0x17: {  	s18 =	simm.s32 $0x7;
	s20 =	simm.s32 $0x4;
	[dreg:$0x5] =	wrdreg s31  }
0x18: {  	s21 =	simm.s32 $0x280;
	s16 =	sadd.s32 s5, s10;
	[dreg:$0x13] =	wrdreg s1  }
0x19: {  	s22 =	simm.s32 $0x8;
	s10 =	sadd.s32 s6, s10;
	[dreg:$0x6] =	wrdreg s16  }
0x1a: {  	s26 =	simm.s32 $0x0;
	s8 =	sadd.s32 $0x15800, s8;
	[dreg:$0x8] =	wrdreg s10  }
0x1b: {  	s29 =	smax.u32 s9, $0x1;
	s31 =	sadd.s32 $0x12000, s25;
	[dreg:$0x12] =	wrdreg s8  }
0x1c: {  	s1 =	simm.s32 $0x4300;
	s9 =	simm.s32 $0x40;
	[dreg:$0x14] =	wrdreg s29  }
0x1d: {  	s10 =	sadd.s32 s17, s19;
	[dreg:$0x15] =	wrdreg s31;
	s8 =	simm.s32 $0x5  }
0x1e: {  	s16 =	simm.s32 $0x3;
	s17 =	simm.s32 $0x200;
	s10 =	sadd.s32 s11, s10  }
0x1f: {  	v0 =	vimm.f32 $0.0e+00;
	s19 =	simm.s32 $0x2;
	[dreg:$0x10] =	wrdreg s10;
	s10 =	simm.s32 $0x300  }
.LBB2_1:
0x20: {  	[dreg:$0x17] =	wrdreg s26  }
0x21: {  	s11 =	rddreg [dreg:$0x4]  }
0x22: {  	s31 =	rddreg [dreg:$0x5]  }
0x23: {  	[tilespmem:s4], [sflag:$0x5] =	stream.linear.gather [hbm4b:s11+s4], $0x40, $0x38;
	[tilespmem:$0x1BB80] =	vst v63  }
0x24: {  	s24 =	simm.s32 $0x100;
	s26 =	rddreg [dreg:$0x6]  }
0x25: {  	[tilespmem:s24], [sflag:$0x5] =	stream.linear.gather [hbm4b:s31+s4], $0x40, $0x38;
	[tilespmem:$0x1BB80] =	vst v63  }
0x26: {  	s29 =	rddreg [dreg:$0x8]  }
0x27: {  	[tilespmem:s30], [sflag:$0x6] =	stream.linear.gather [hbm4b:s26+s4], $0x40, $0x38;
	[tilespmem:$0x1BB80] =	vst v63  }
0x28: {  	s11 =	simm.s32 $0x0;
	s31 =	simm.s32 $0x180;
	s24 =	simm.s32 $0x200  }
0x29: {  	[tilespmem:s31], [sflag:$0x6] =	stream.linear.gather [hbm4b:s29+s4], $0x40, $0x38;
	[tilespmem:$0x1BB80] =	vst v63  }
.LBB2_2:
0x2a: {  	p1 =	sne.s32 s24, $0x7E00;
	[tilespmem:s11+$0x4370] =	vst v0  }
0x2b: {  	[tilespmem:s11+$0x4300] =	vst v0  }
0x2c: {  	[tilespmem:s11+$0x4310] =	vst v0  }
.Ltmp0:
0x2d: {  	[tilespmem:s11+$0x4320] =	vst v0;
	(pc) =	sbr.rel @p1 .LBB2_2-.Ltmp0, $4  }
0x2e: {  	[tilespmem:s11+$0x4330] =	vst v0  }
0x2f: {  	[tilespmem:s11+$0x4340] =	vst v0  }
0x30: {  	[tilespmem:s11+$0x4350] =	vst v0  }
0x31: {  	[tilespmem:s11+$0x4360] =	vst v0;
	s11 =	sshra.s32 s24, $0x2;
	s24 =	sadd.s32 $0x200, s24  }
0x32: {  	[tilespmem:s11+$0x4370] =	vst v0  }
0x33: {  	[tilespmem:s11+$0x4300] =	vst v0  }
0x34: {  	[tilespmem:s11+$0x4310] =	vst v0  }
0x35: {  	[tilespmem:s11+$0x4320] =	vst v0  }
0x36: {  	[tilespmem:s11+$0x4330] =	vst v0  }
0x37: {  	[tilespmem:s11+$0x4340] =	vst v0  }
0x38: {  	[tilespmem:s11+$0x4350] =	vst v0  }
0x39: {  	[tilespmem:s11+$0x4360] =	vst v0  }
0x3a: {  	[spmem:s25] =	stream.linear.scatter [tilespmem:s1], [sflag:$0x9], $0x2000, $0x38;
	[tilespmem:$0x1BB80] =	vst v63  }
0x3b: {  	_ =	swait.ge [sflag:s2], $0x2000  }
0x3c: {  	[sflag:s2] =	ssyncset.done $0x0  }
0x3d: {  	s24 =	rddreg [dreg:$0x9];
	[sflag:s2] =	ssyncadd.s32 $0xFFFFE000  }
0x3e: {  	[spmem:s24] =	stream.linear.scatter [tilespmem:s1], [sflag:$0x9], $0x2000, $0x38;
	[tilespmem:$0x1BB80] =	vst v63  }
0x3f: {  	_ =	swait.ge [sflag:s2], $0x2000  }
0x40: {  	[sflag:s2] =	ssyncset.done $0x0  }
0x41: {  	s25 =	rddreg [dreg:$0xa];
	[sflag:s2] =	ssyncadd.s32 $0xFFFFE000  }
0x42: {  	[spmem:s25] =	stream.linear.scatter [tilespmem:s1], [sflag:$0x9], $0x2000, $0x38;
	[tilespmem:$0x1BB80] =	vst v63  }
0x43: {  	_ =	swait.ge [sflag:s2], $0x2000  }
0x44: {  	[sflag:s2] =	ssyncset.done $0x0  }
0x45: {  	s26 =	rddreg [dreg:$0xb];
	[sflag:s2] =	ssyncadd.s32 $0xFFFFE000  }
0x46: {  	[spmem:s26] =	stream.linear.scatter [tilespmem:s1], [sflag:$0x9], $0x2000, $0x38;
	[tilespmem:$0x1BB80] =	vst v63  }
0x47: {  	_ =	swait.ge [sflag:s2], $0x2000  }
0x48: {  	[sflag:s2] =	ssyncset.done $0x0  }
0x49: {  	s29 =	rddreg [dreg:$0xc];
	[sflag:s2] =	ssyncadd.s32 $0xFFFFE000  }
0x4a: {  	[spmem:s29] =	stream.linear.scatter [tilespmem:s1], [sflag:$0x9], $0x2000, $0x38;
	[tilespmem:$0x1BB80] =	vst v63  }
0x4b: {  	_ =	swait.ge [sflag:s2], $0x2000  }
0x4c: {  	[sflag:s2] =	ssyncset.done $0x0  }
0x4d: {  	s31 =	rddreg [dreg:$0xd];
	[sflag:s2] =	ssyncadd.s32 $0xFFFFE000  }
0x4e: {  	[spmem:s31] =	stream.linear.scatter [tilespmem:s1], [sflag:$0x9], $0x2000, $0x38;
	[tilespmem:$0x1BB80] =	vst v63  }
0x4f: {  	_ =	swait.ge [sflag:s2], $0x2000  }
0x50: {  	[sflag:s2] =	ssyncset.done $0x0  }
0x51: {  	s24 =	rddreg [dreg:$0xe];
	[sflag:s2] =	ssyncadd.s32 $0xFFFFE000  }
0x52: {  	[spmem:s24] =	stream.linear.scatter [tilespmem:s1], [sflag:$0x9], $0x2000, $0x38;
	[tilespmem:$0x1BB80] =	vst v63  }
0x53: {  	_ =	swait.ge [sflag:s2], $0x2000  }
0x54: {  	[sflag:s2] =	ssyncset.done $0x0  }
0x55: {  	s25 =	rddreg [dreg:$0xf];
	[sflag:s2] =	ssyncadd.s32 $0xFFFFE000  }
0x56: {  	[spmem:s25] =	stream.linear.scatter [tilespmem:s1], [sflag:$0x9], $0x2000, $0x38;
	[tilespmem:$0x1BB80] =	vst v63  }
0x57: {  	_ =	swait.ge [sflag:s2], $0x2000  }
0x58: {  	[sflag:s2] =	ssyncset.done $0x0  }
0x59: {  	s26 =	rddreg [dreg:$0x11];
	[sflag:s2] =	ssyncadd.s32 $0xFFFFE000  }
0x5a: {  	[spmem:s26] =	stream.linear.scatter [tilespmem:s1], [sflag:$0x9], $0x2000, $0x38;
	[tilespmem:$0x1BB80] =	vst v63  }
0x5b: {  	_ =	swait.ge [sflag:s2], $0x2000  }
0x5c: {  	[sflag:s2] =	ssyncset.done $0x0  }
0x5d: {  	s29 =	rddreg [dreg:$0x15];
	[sflag:s2] =	ssyncadd.s32 $0xFFFFE000  }
0x5e: {  	[spmem:s29] =	stream.linear.scatter [tilespmem:s1], [sflag:$0x9], $0x1800, $0x38;
	[tilespmem:$0x1BB80] =	vst v63  }
0x5f: {  	_ =	swait.ge [sflag:s2], $0x1800  }
0x60: {  	[sflag:s2] =	ssyncset.done $0x0  }
0x61: {  	s11 =	simm.s32 @!p0 $0x4300;
	[sflag:s2] =	ssyncadd.s32 $0xFFFFE800  }
0x62: {  	[spmem:s28] =	stream.linear.scatter @!p0 [tilespmem:s11], [sflag:$0x9], $0x800, $0x38;
	[tilespmem:$0x1BB80] =	vst v63  }
0x63: {  	s11 =	simm.s32 @!p0 $0x9  }
0x64: {  	_ =	swait.ge @!p0 [sflag:s11], $0x800  }
0x65: {  	[sflag:s11] =	ssyncset.done @!p0 $0x0  }
0x66: {  	[sflag:s11] =	ssyncadd.s32 @!p0 $0xFFFFF800  }
0x67: {  	[bflag:$0x0] =	sbarrier.arrive $0xFFFF  }
0x68: {  	_ =	swait.ge [sflag:s8], $0x40  }
0x69: {  	[sflag:s8] =	ssyncset.done $0x0  }
0x6a: {  	[sflag:s8] =	ssyncadd.s32 $0xFFFFFFC0  }
0x6b: {  	_ =	swait.ge [sflag:s8], $0x40  }
0x6c: {  	[sflag:s8] =	ssyncset.done $0x0  }
0x6d: {  	s25 =	simm.s32 $0x0;
	[sflag:s8] =	ssyncadd.s32 $0xFFFFFFC0  }
0x6e: {  	[tilespmem:s10], [sflag:$0x1] =	stream.indirect.gather [hbm4b:s0+s9], $0x80, s25, s9, $0xb8;
	[tilespmem:$0x1BB80] =	vst v63  }
0x6f: {  	s26 =	simm.s32 $0x0;
	s31 =	rddreg [dreg:$0x12]  }
0x70: {  	[tilespmem:s1], [sflag:$0x3] =	stream.linear.gather [hbm4b:s31+s25], $0x2000, $0x38;
	[tilespmem:$0x1BB80] =	vst v63  }
.LBB2_4:
0x71: {  	_ =	swait.ge [sflag:s12], $0x40  }
0x72: {  	[sflag:s12] =	ssyncset.done $0x0  }
0x73: {  	[sflag:s12] =	ssyncadd.s32 $0xFFFFFFC0  }
0x74: {  	_ =	swait.ge [sflag:s12], $0x40  }
0x75: {  	p1 =	seq.s32 s26, $0x0;
	[sflag:s12] =	ssyncset.done $0x0  }
0x76: {  	s11 =	simm.s32 @!p1 $0x8;
	[sflag:s12] =	ssyncadd.s32 $0xFFFFFFC0  }
0x77: {  	s28 =	sshll.u32 s26, $0x2;
	_ =	swait.ge @!p1 [sflag:s11], $0x2000  }
0x78: {  	s24 =	sadd.s32 s7, s28;
	[sflag:s11] =	ssyncset.done @!p1 $0x0  }
0x79: {  	s31 =	sshll.u32 s24, $0xA;
	[sflag:s11] =	ssyncadd.s32 @!p1 $0xFFFFE000  }
0x7a: {  	[tilespmem:s13], [sflag:$0x2] =	stream.indirect.gather [hbm4b:s0+s9], $0x80, s30, s9, $0xb8;
	[tilespmem:$0x1BB80] =	vst v63  }
0x7b: {  	s11 =	sadd.s32 s31, s23  }
0x7c: {  	[tilespmem:s14], [sflag:$0x4] =	stream.linear.gather [hbm4b:s11+s25], $0x2000, $0x38;
	[tilespmem:$0x1BB80] =	vst v63  }
0x7d: {  	_ =	swait.ge [sflag:s15], $0x2000  }
0x7e: {  	[sflag:s15] =	ssyncset.done $0x0  }
0x7f: {  	[sflag:s15] =	ssyncadd.s32 $0xFFFFE000  }
0x80: {  	s24 =	sshll.u32 s24, $0x3;
	_ =	swait.ge [sflag:s16], $0x2000  }
0x81: {  	s11 =	sor.u32 $0x10, s24;
	[sflag:s16] =	ssyncset.done $0x0  }
0x82: {  	s31 =	sadd.s32 s5, s11;
	[sflag:s16] =	ssyncadd.s32 $0xFFFFE000  }
0x83: {  	[tilespmem:s25], [sflag:$0x5] =	stream.linear.gather [hbm4b:s31+s25], $0x40, $0x38;
	[tilespmem:$0x1BB80] =	vst v63  }
0x84: {  	s11 =	sadd.s32 s6, s11  }
0x85: {  	[tilespmem:s17], [sflag:$0x5] =	stream.linear.gather [hbm4b:s11+s25], $0x40, $0x38;
	[tilespmem:$0x1BB80] =	vst v63  }
0x86: {  	s11 =	simm.s32 $0x0  }
0x87: {  	v8 =	vld [tilespmem:s11+$0x4300]  }
0x88: {  	v12 =	vld [tilespmem:s11+$0x4310]  }
0x89: {  	v6 =	vld [tilespmem:s11+$0x4320]  }
0x8a: {  	v5 =	vld [tilespmem:s11+$0x4330]  }
0x8b: {  	v4 =	vld [tilespmem:s11+$0x4340]  }
0x8c: {  	v3 =	vld [tilespmem:s11+$0x4350]  }
0x8d: {  	v2 =	vld [tilespmem:s11+$0x4360]  }
0x8e: {  	v1 =	vld [tilespmem:s11+$0x4370]  }
0x8f: {  	v13 =	vld [tilespmem:s11+$0x300]  }
0x90: {  	v14 =	vld [tilespmem:s11+$0x310]  }
0x91: {  	v11 =	vld [tilespmem:s11+$0x320]  }
0x92: {  	v10 =	vld [tilespmem:s11+$0x330]  }
0x93: {  	v9 =	vld [tilespmem:s11+$0x340]  }
0x94: {  	v7 =	vld [tilespmem:s11+$0x350];
	v13 =	vmul.f32 v8, v13  }
0x95: {  	s29 =	simm.s32 $0x200;
	s24 =	sor.u32 $0x1, s28;
	v12 =	vmul.f32 v12, v14;
	v8 =	vld [tilespmem:s11+$0x360]  }
.LBB2_5:
0x96: {  	s31 =	sshra.s32 s29, $0x2;
	p1 =	sne.s32 s29, $0x7E00;
	[tilespmem:s11+$0x300] =	vst v13;
	v6 =	vmul.f32 v6, v11;
	v11 =	vld [tilespmem:s11+$0x370]  }
0x97: {  	v13 =	vld [tilespmem:s31+$0x4300];
	[tilespmem:s11+$0x310] =	vst v12;
	v5 =	vmul.f32 v5, v10  }
0x98: {  	v12 =	vld [tilespmem:s31+$0x4310];
	[tilespmem:s11+$0x320] =	vst v6;
	v4 =	vmul.f32 v4, v9  }
0x99: {  	v6 =	vld [tilespmem:s31+$0x4320];
	[tilespmem:s11+$0x330] =	vst v5;
	v3 =	vmul.f32 v3, v7  }
0x9a: {  	v5 =	vld [tilespmem:s31+$0x4330];
	[tilespmem:s11+$0x340] =	vst v4;
	v2 =	vmul.f32 v2, v8  }
0x9b: {  	v4 =	vld [tilespmem:s31+$0x4340];
	[tilespmem:s11+$0x350] =	vst v3;
	v1 =	vmul.f32 v1, v11  }
0x9c: {  	v3 =	vld [tilespmem:s31+$0x4350];
	[tilespmem:s11+$0x360] =	vst v2  }
0x9d: {  	v2 =	vld [tilespmem:s31+$0x4360];
	[tilespmem:s11+$0x370] =	vst v1;
	s11 =	smov.u32 s31  }
0x9e: {  	v1 =	vld [tilespmem:s11+$0x4370]  }
0x9f: {  	v7 =	vld [tilespmem:s11+$0x300]  }
0xa0: {  	v8 =	vld [tilespmem:s11+$0x310]  }
.Ltmp1:
0xa1: {  	v11 =	vld [tilespmem:s11+$0x320];
	(pc) =	sbr.rel @p1 .LBB2_5-.Ltmp1, $4  }
0xa2: {  	v10 =	vld [tilespmem:s11+$0x330]  }
0xa3: {  	v9 =	vld [tilespmem:s11+$0x340]  }
0xa4: {  	v13 =	vmul.f32 v13, v7;
	v7 =	vld [tilespmem:s11+$0x350]  }
0xa5: {  	s29 =	sadd.s32 $0x200, s29;
	v12 =	vmul.f32 v12, v8;
	v8 =	vld [tilespmem:s11+$0x360]  }
0xa6: {  	[tilespmem:s11+$0x300] =	vst v13;
	v6 =	vmul.f32 v6, v11;
	v11 =	vld [tilespmem:s11+$0x370]  }
0xa7: {  	[tilespmem:s11+$0x310] =	vst v12;
	v5 =	vmul.f32 v5, v10  }
0xa8: {  	[tilespmem:s11+$0x320] =	vst v6;
	v4 =	vmul.f32 v4, v9  }
0xa9: {  	[tilespmem:s11+$0x330] =	vst v5;
	v3 =	vmul.f32 v3, v7  }
0xaa: {  	[tilespmem:s11+$0x340] =	vst v4;
	v2 =	vmul.f32 v2, v8  }
0xab: {  	[tilespmem:s11+$0x350] =	vst v3;
	v1 =	vmul.f32 v1, v11  }
0xac: {  	[tilespmem:s11+$0x360] =	vst v2  }
0xad: {  	s29 =	simm.s32 $0x100;
	[tilespmem:s11+$0x370] =	vst v1  }
0xae: {  	[spmem:s3] =	stream.indirect.scatter.add.f32 [tilespmem:s10], [sflag:$0x7], $0x80, s29, s9, $0xb8;
	[tilespmem:$0x1BB80] =	vst v63  }
0xaf: {  	_ =	swait.ge [sflag:s8], $0x40  }
0xb0: {  	[sflag:s8] =	ssyncset.done $0x0  }
0xb1: {  	[sflag:s8] =	ssyncadd.s32 $0xFFFFFFC0  }
0xb2: {  	_ =	swait.ge [sflag:s8], $0x40  }
0xb3: {  	[sflag:s8] =	ssyncset.done $0x0  }
0xb4: {  	[sflag:s8] =	ssyncadd.s32 $0xFFFFFFC0  }
0xb5: {  	_ =	swait.ge [sflag:s18], $0x2000  }
0xb6: {  	s31 =	sadd.s32 s7, s24;
	[sflag:s18] =	ssyncset.done $0x0  }
0xb7: {  	s24 =	simm.s32 $0x0;
	s29 =	sshll.u32 s31, $0xA;
	[sflag:s18] =	ssyncadd.s32 $0xFFFFE000  }
0xb8: {  	[tilespmem:s10], [sflag:$0x1] =	stream.indirect.gather [hbm4b:s0+s9], $0x80, s24, s9, $0xb8;
	[tilespmem:$0x1BB80] =	vst v63  }
0xb9: {  	s29 =	sadd.s32 s29, s23  }
0xba: {  	[tilespmem:s1], [sflag:$0x3] =	stream.linear.gather [hbm4b:s29+s24], $0x2000, $0x38;
	[tilespmem:$0x1BB80] =	vst v63  }
0xbb: {  	_ =	swait.ge [sflag:s19], $0x2000  }
0xbc: {  	[sflag:s19] =	ssyncset.done $0x0  }
0xbd: {  	s11 =	sshll.u32 s31, $0x3;
	[sflag:s19] =	ssyncadd.s32 $0xFFFFE000  }
0xbe: {  	s11 =	sand.u32 $0x1FFFFFE8, s11;
	_ =	swait.ge [sflag:s20], $0x2000  }
0xbf: {  	s11 =	sor.u32 $0x10, s11;
	[sflag:s20] =	ssyncset.done $0x0  }
0xc0: {  	s31 =	sadd.s32 s5, s11;
	[sflag:s20] =	ssyncadd.s32 $0xFFFFE000  }
0xc1: {  	[tilespmem:s30], [sflag:$0x6] =	stream.linear.gather [hbm4b:s31+s24], $0x40, $0x38;
	[tilespmem:$0x1BB80] =	vst v63  }
0xc2: {  	s11 =	sadd.s32 s6, s11  }
0xc3: {  	[tilespmem:s21], [sflag:$0x6] =	stream.linear.gather [hbm4b:s11+s24], $0x40, $0x38;
	[tilespmem:$0x1BB80] =	vst v63  }
0xc4: {  	s11 =	simm.s32 $0x0  }
0xc5: {  	v8 =	vld [tilespmem:s11+$0x6300]  }
0xc6: {  	v12 =	vld [tilespmem:s11+$0x6310]  }
0xc7: {  	v6 =	vld [tilespmem:s11+$0x6320]  }
0xc8: {  	v5 =	vld [tilespmem:s11+$0x6330]  }
0xc9: {  	v4 =	vld [tilespmem:s11+$0x6340]  }
0xca: {  	v3 =	vld [tilespmem:s11+$0x6350]  }
0xcb: {  	v2 =	vld [tilespmem:s11+$0x6360]  }
0xcc: {  	v1 =	vld [tilespmem:s11+$0x6370]  }
0xcd: {  	v13 =	vld [tilespmem:s11+$0x2300]  }
0xce: {  	v14 =	vld [tilespmem:s11+$0x2310]  }
0xcf: {  	v11 =	vld [tilespmem:s11+$0x2320]  }
0xd0: {  	v10 =	vld [tilespmem:s11+$0x2330]  }
0xd1: {  	v9 =	vld [tilespmem:s11+$0x2340]  }
0xd2: {  	v7 =	vld [tilespmem:s11+$0x2350];
	v13 =	vmul.f32 v8, v13  }
0xd3: {  	s24 =	simm.s32 $0x200;
	v12 =	vmul.f32 v12, v14;
	v8 =	vld [tilespmem:s11+$0x2360]  }
.LBB2_7:
0xd4: {  	s29 =	sshra.s32 s24, $0x2;
	p1 =	sne.s32 s24, $0x7E00;
	[tilespmem:s11+$0x2300] =	vst v13;
	v6 =	vmul.f32 v6, v11;
	v11 =	vld [tilespmem:s11+$0x2370]  }
0xd5: {  	v13 =	vld [tilespmem:s29+$0x6300];
	[tilespmem:s11+$0x2310] =	vst v12;
	v5 =	vmul.f32 v5, v10  }
0xd6: {  	v12 =	vld [tilespmem:s29+$0x6310];
	[tilespmem:s11+$0x2320] =	vst v6;
	v4 =	vmul.f32 v4, v9  }
0xd7: {  	v6 =	vld [tilespmem:s29+$0x6320];
	[tilespmem:s11+$0x2330] =	vst v5;
	v3 =	vmul.f32 v3, v7  }
0xd8: {  	v5 =	vld [tilespmem:s29+$0x6330];
	[tilespmem:s11+$0x2340] =	vst v4;
	v2 =	vmul.f32 v2, v8  }
0xd9: {  	v4 =	vld [tilespmem:s29+$0x6340];
	[tilespmem:s11+$0x2350] =	vst v3;
	v1 =	vmul.f32 v1, v11  }
0xda: {  	v3 =	vld [tilespmem:s29+$0x6350];
	[tilespmem:s11+$0x2360] =	vst v2  }
0xdb: {  	v2 =	vld [tilespmem:s29+$0x6360];
	[tilespmem:s11+$0x2370] =	vst v1;
	s11 =	smov.u32 s29  }
0xdc: {  	v1 =	vld [tilespmem:s11+$0x6370]  }
0xdd: {  	v7 =	vld [tilespmem:s11+$0x2300]  }
0xde: {  	v8 =	vld [tilespmem:s11+$0x2310]  }
.Ltmp2:
0xdf: {  	v11 =	vld [tilespmem:s11+$0x2320];
	(pc) =	sbr.rel @p1 .LBB2_7-.Ltmp2, $4  }
0xe0: {  	v10 =	vld [tilespmem:s11+$0x2330]  }
0xe1: {  	v9 =	vld [tilespmem:s11+$0x2340]  }
0xe2: {  	v13 =	vmul.f32 v13, v7;
	v7 =	vld [tilespmem:s11+$0x2350]  }
0xe3: {  	s24 =	sadd.s32 $0x200, s24;
	v12 =	vmul.f32 v12, v8;
	v8 =	vld [tilespmem:s11+$0x2360]  }
0xe4: {  	[tilespmem:s11+$0x2300] =	vst v13;
	v6 =	vmul.f32 v6, v11;
	v11 =	vld [tilespmem:s11+$0x2370]  }
0xe5: {  	[tilespmem:s11+$0x2310] =	vst v12;
	v5 =	vmul.f32 v5, v10  }
0xe6: {  	[tilespmem:s11+$0x2320] =	vst v6;
	v4 =	vmul.f32 v4, v9  }
0xe7: {  	[tilespmem:s11+$0x2330] =	vst v5;
	v3 =	vmul.f32 v3, v7  }
0xe8: {  	[tilespmem:s11+$0x2340] =	vst v4;
	v2 =	vmul.f32 v2, v8  }
0xe9: {  	[tilespmem:s11+$0x2350] =	vst v3;
	v1 =	vmul.f32 v1, v11  }
0xea: {  	[tilespmem:s11+$0x2360] =	vst v2  }
0xeb: {  	s29 =	simm.s32 $0x180;
	[tilespmem:s11+$0x2370] =	vst v1  }
0xec: {  	[spmem:s3] =	stream.indirect.scatter.add.f32 [tilespmem:s13], [sflag:$0x8], $0x80, s29, s9, $0xb8;
	[tilespmem:$0x1BB80] =	vst v63  }
0xed: {  	_ =	swait.ge [sflag:s12], $0x40  }
0xee: {  	[sflag:s12] =	ssyncset.done $0x0  }
0xef: {  	[sflag:s12] =	ssyncadd.s32 $0xFFFFFFC0  }
0xf0: {  	_ =	swait.ge [sflag:s12], $0x40  }
0xf1: {  	[sflag:s12] =	ssyncset.done $0x0  }
0xf2: {  	s31 =	sadd.s32 s28, s7;
	[sflag:s12] =	ssyncadd.s32 $0xFFFFFFC0  }
0xf3: {  	s11 =	sadd.s32 $0x2, s31;
	_ =	swait.ge [sflag:s22], $0x2000  }
0xf4: {  	s24 =	sshll.u32 s11, $0xA;
	[sflag:s22] =	ssyncset.done $0x0  }
0xf5: {  	s24 =	sand.u32 $0x1FFFF800, s24;
	[sflag:s22] =	ssyncadd.s32 $0xFFFFE000  }
0xf6: {  	[tilespmem:s13], [sflag:$0x2] =	stream.indirect.gather [hbm4b:s0+s9], $0x80, s30, s9, $0xb8;
	[tilespmem:$0x1BB80] =	vst v63  }
0xf7: {  	s24 =	sadd.s32 s24, s23  }
0xf8: {  	[tilespmem:s14], [sflag:$0x4] =	stream.linear.gather [hbm4b:s24+s4], $0x2000, $0x38;
	[tilespmem:$0x1BB80] =	vst v63  }
0xf9: {  	_ =	swait.ge [sflag:s15], $0x2000  }
0xfa: {  	[sflag:s15] =	ssyncset.done $0x0  }
0xfb: {  	p1 =	seq.s32 s26, $0x27;
	[sflag:s15] =	ssyncadd.s32 $0xFFFFE000  }
0xfc: {  	s11 =	sshll.u32 @!p1 s11, $0x3;
	_ =	swait.ge [sflag:s16], $0x2000  }
0xfd: {  	s11 =	sadd.s32 @!p1 $0x10, s11;
	[sflag:s16] =	ssyncset.done $0x0  }
0xfe: {  	s29 =	simm.s32 @!p1 $0x0;
	s24 =	sadd.s32 @!p1 s5, s11;
	[sflag:s16] =	ssyncadd.s32 $0xFFFFE000  }
0xff: {  	[tilespmem:s29], [sflag:$0x5] =	stream.linear.gather @!p1 [hbm4b:s24+s29], $0x40, $0x38;
	[tilespmem:$0x1BB80] =	vst v63  }
0x100: {  	s11 =	sadd.s32 @!p1 s6, s11;
	s24 =	simm.s32 @!p1 $0x100  }
0x101: {  	[tilespmem:s24], [sflag:$0x5] =	stream.linear.gather @!p1 [hbm4b:s11+s29], $0x40, $0x38;
	[tilespmem:$0x1BB80] =	vst v63  }
0x102: {  	s11 =	simm.s32 $0x0  }
0x103: {  	v8 =	vld [tilespmem:s11+$0x4300]  }
0x104: {  	v12 =	vld [tilespmem:s11+$0x4310]  }
0x105: {  	v6 =	vld [tilespmem:s11+$0x4320]  }
0x106: {  	v5 =	vld [tilespmem:s11+$0x4330]  }
0x107: {  	v4 =	vld [tilespmem:s11+$0x4340]  }
0x108: {  	v3 =	vld [tilespmem:s11+$0x4350]  }
0x109: {  	v2 =	vld [tilespmem:s11+$0x4360]  }
0x10a: {  	v1 =	vld [tilespmem:s11+$0x4370]  }
0x10b: {  	v13 =	vld [tilespmem:s11+$0x300]  }
0x10c: {  	v14 =	vld [tilespmem:s11+$0x310]  }
0x10d: {  	v11 =	vld [tilespmem:s11+$0x320]  }
0x10e: {  	v10 =	vld [tilespmem:s11+$0x330]  }
0x10f: {  	v9 =	vld [tilespmem:s11+$0x340]  }
0x110: {  	v7 =	vld [tilespmem:s11+$0x350];
	v13 =	vmul.f32 v8, v13  }
0x111: {  	s28 =	sor.u32 $0x3, s28;
	s24 =	simm.s32 $0x200;
	v12 =	vmul.f32 v12, v14;
	v8 =	vld [tilespmem:s11+$0x360]  }
.LBB2_9:
0x112: {  	s29 =	sshra.s32 s24, $0x2;
	p2 =	sne.s32 s24, $0x7E00;
	[tilespmem:s11+$0x300] =	vst v13;
	v6 =	vmul.f32 v6, v11;
	v11 =	vld [tilespmem:s11+$0x370]  }
0x113: {  	v13 =	vld [tilespmem:s29+$0x4300];
	[tilespmem:s11+$0x310] =	vst v12;
	v5 =	vmul.f32 v5, v10  }
0x114: {  	v12 =	vld [tilespmem:s29+$0x4310];
	[tilespmem:s11+$0x320] =	vst v6;
	v4 =	vmul.f32 v4, v9  }
0x115: {  	v6 =	vld [tilespmem:s29+$0x4320];
	[tilespmem:s11+$0x330] =	vst v5;
	v3 =	vmul.f32 v3, v7  }
0x116: {  	v5 =	vld [tilespmem:s29+$0x4330];
	[tilespmem:s11+$0x340] =	vst v4;
	v2 =	vmul.f32 v2, v8  }
0x117: {  	v4 =	vld [tilespmem:s29+$0x4340];
	[tilespmem:s11+$0x350] =	vst v3;
	v1 =	vmul.f32 v1, v11  }
0x118: {  	v3 =	vld [tilespmem:s29+$0x4350];
	[tilespmem:s11+$0x360] =	vst v2  }
0x119: {  	v2 =	vld [tilespmem:s29+$0x4360];
	[tilespmem:s11+$0x370] =	vst v1;
	s11 =	smov.u32 s29  }
0x11a: {  	v1 =	vld [tilespmem:s11+$0x4370]  }
0x11b: {  	v7 =	vld [tilespmem:s11+$0x300]  }
0x11c: {  	v8 =	vld [tilespmem:s11+$0x310]  }
.Ltmp3:
0x11d: {  	v11 =	vld [tilespmem:s11+$0x320];
	(pc) =	sbr.rel @p2 .LBB2_9-.Ltmp3, $4  }
0x11e: {  	v10 =	vld [tilespmem:s11+$0x330]  }
0x11f: {  	v9 =	vld [tilespmem:s11+$0x340]  }
0x120: {  	v13 =	vmul.f32 v13, v7;
	v7 =	vld [tilespmem:s11+$0x350]  }
0x121: {  	s24 =	sadd.s32 $0x200, s24;
	v12 =	vmul.f32 v12, v8;
	v8 =	vld [tilespmem:s11+$0x360]  }
0x122: {  	[tilespmem:s11+$0x300] =	vst v13;
	v6 =	vmul.f32 v6, v11;
	v11 =	vld [tilespmem:s11+$0x370]  }
0x123: {  	[tilespmem:s11+$0x310] =	vst v12;
	v5 =	vmul.f32 v5, v10  }
0x124: {  	[tilespmem:s11+$0x320] =	vst v6;
	v4 =	vmul.f32 v4, v9  }
0x125: {  	[tilespmem:s11+$0x330] =	vst v5;
	v3 =	vmul.f32 v3, v7  }
0x126: {  	[tilespmem:s11+$0x340] =	vst v4;
	v2 =	vmul.f32 v2, v8  }
0x127: {  	[tilespmem:s11+$0x350] =	vst v3;
	v1 =	vmul.f32 v1, v11  }
0x128: {  	[tilespmem:s11+$0x360] =	vst v2  }
0x129: {  	[tilespmem:s11+$0x370] =	vst v1;
	s11 =	simm.s32 @p1 $0x2  }
0x12a: {  	[spmem:s3] =	stream.indirect.scatter.add.f32 [tilespmem:s10], [sflag:$0x7], $0x80, s17, s9, $0xb8;
	[tilespmem:$0x1BB80] =	vst v63  }
0x12b: {  	_ =	swait.ge @p1 [sflag:s11], $0x2000  }
0x12c: {  	[sflag:s11] =	ssyncset.done @p1 $0x0  }
0x12d: {  	[sflag:s11] =	ssyncadd.s32 @p1 $0xFFFFE000;
	s11 =	simm.s32 @p1 $0x4  }
0x12e: {  	_ =	swait.ge @p1 [sflag:s11], $0x2000  }
0x12f: {  	[sflag:s11] =	ssyncset.done @p1 $0x0  }
0x130: {  	[sflag:s11] =	ssyncadd.s32 @p1 $0xFFFFE000;
	s11 =	simm.s32 @!p1 $0x5  }
0x131: {  	_ =	swait.ge @!p1 [sflag:s11], $0x40  }
0x132: {  	[sflag:s11] =	ssyncset.done @!p1 $0x0  }
0x133: {  	[sflag:s11] =	ssyncadd.s32 @!p1 $0xFFFFFFC0  }
0x134: {  	_ =	swait.ge @!p1 [sflag:s11], $0x40  }
0x135: {  	[sflag:s11] =	ssyncset.done @!p1 $0x0  }
0x136: {  	[sflag:s11] =	ssyncadd.s32 @!p1 $0xFFFFFFC0;
	s11 =	simm.s32 @!p1 $0x7  }
0x137: {  	_ =	swait.ge @!p1 [sflag:s11], $0x2000  }
0x138: {  	s24 =	sadd.s32 @!p1 s7, s28;
	s28 =	simm.s32 @!p1 $0x0;
	[sflag:s11] =	ssyncset.done @!p1 $0x0  }
0x139: {  	s29 =	simm.s32 @!p1 $0x300;
	[sflag:s11] =	ssyncadd.s32 @!p1 $0xFFFFE000;
	s11 =	simm.s32 @!p1 $0x40  }
0x13a: {  	[tilespmem:s29], [sflag:$0x1] =	stream.indirect.gather @!p1 [hbm4b:s0+s11], $0x80, s28, s11, $0xb8;
	[tilespmem:$0x1BB80] =	vst v63  }
0x13b: {  	s11 =	sshll.u32 @!p1 s24, $0xA  }
0x13c: {  	s29 =	simm.s32 @!p1 $0x4300;
	s11 =	sadd.s32 @!p1 s11, s23  }
0x13d: {  	[tilespmem:s29], [sflag:$0x3] =	stream.linear.gather @!p1 [hbm4b:s11+s28], $0x2000, $0x38;
	[tilespmem:$0x1BB80] =	vst v63  }
0x13e: {  	s11 =	simm.s32 @!p1 $0x2  }
0x13f: {  	_ =	swait.ge @!p1 [sflag:s11], $0x2000  }
0x140: {  	[sflag:s11] =	ssyncset.done @!p1 $0x0  }
0x141: {  	[sflag:s11] =	ssyncadd.s32 @!p1 $0xFFFFE000;
	s11 =	simm.s32 @!p1 $0x4  }
0x142: {  	s24 =	sshll.u32 @!p1 s24, $0x3;
	_ =	swait.ge @!p1 [sflag:s11], $0x2000  }
0x143: {  	s24 =	sadd.s32 @!p1 $0x10, s24;
	[sflag:s11] =	ssyncset.done @!p1 $0x0  }
0x144: {  	s29 =	simm.s32 @!p1 $0x80;
	[sflag:s11] =	ssyncadd.s32 @!p1 $0xFFFFE000;
	s11 =	sadd.s32 @!p1 s5, s24  }
0x145: {  	[tilespmem:s29], [sflag:$0x6] =	stream.linear.gather @!p1 [hbm4b:s11+s28], $0x40, $0x38;
	[tilespmem:$0x1BB80] =	vst v63  }
0x146: {  	s11 =	sadd.s32 @!p1 s6, s24;
	s24 =	simm.s32 @!p1 $0x180  }
0x147: {  	[tilespmem:s24], [sflag:$0x6] =	stream.linear.gather @!p1 [hbm4b:s11+s28], $0x40, $0x38;
	[tilespmem:$0x1BB80] =	vst v63  }
0x148: {  	s11 =	simm.s32 $0x0  }
0x149: {  	v8 =	vld [tilespmem:s11+$0x6300]  }
0x14a: {  	v12 =	vld [tilespmem:s11+$0x6310]  }
0x14b: {  	v6 =	vld [tilespmem:s11+$0x6320]  }
0x14c: {  	v5 =	vld [tilespmem:s11+$0x6330]  }
0x14d: {  	v4 =	vld [tilespmem:s11+$0x6340]  }
0x14e: {  	v3 =	vld [tilespmem:s11+$0x6350]  }
0x14f: {  	v2 =	vld [tilespmem:s11+$0x6360]  }
0x150: {  	v1 =	vld [tilespmem:s11+$0x6370]  }
0x151: {  	v13 =	vld [tilespmem:s11+$0x2300]  }
0x152: {  	v14 =	vld [tilespmem:s11+$0x2310]  }
0x153: {  	v11 =	vld [tilespmem:s11+$0x2320]  }
0x154: {  	v10 =	vld [tilespmem:s11+$0x2330]  }
0x155: {  	v9 =	vld [tilespmem:s11+$0x2340]  }
0x156: {  	v7 =	vld [tilespmem:s11+$0x2350];
	v13 =	vmul.f32 v8, v13  }
0x157: {  	s24 =	simm.s32 $0x200;
	v12 =	vmul.f32 v12, v14;
	v8 =	vld [tilespmem:s11+$0x2360]  }
.LBB2_11:
0x158: {  	s28 =	sshra.s32 s24, $0x2;
	p1 =	sne.s32 s24, $0x7E00;
	[tilespmem:s11+$0x2300] =	vst v13;
	v6 =	vmul.f32 v6, v11;
	v11 =	vld [tilespmem:s11+$0x2370]  }
0x159: {  	v13 =	vld [tilespmem:s28+$0x6300];
	[tilespmem:s11+$0x2310] =	vst v12;
	v5 =	vmul.f32 v5, v10  }
0x15a: {  	v12 =	vld [tilespmem:s28+$0x6310];
	[tilespmem:s11+$0x2320] =	vst v6;
	v4 =	vmul.f32 v4, v9  }
0x15b: {  	v6 =	vld [tilespmem:s28+$0x6320];
	[tilespmem:s11+$0x2330] =	vst v5;
	v3 =	vmul.f32 v3, v7  }
0x15c: {  	v5 =	vld [tilespmem:s28+$0x6330];
	[tilespmem:s11+$0x2340] =	vst v4;
	v2 =	vmul.f32 v2, v8  }
0x15d: {  	v4 =	vld [tilespmem:s28+$0x6340];
	[tilespmem:s11+$0x2350] =	vst v3;
	v1 =	vmul.f32 v1, v11  }
0x15e: {  	v3 =	vld [tilespmem:s28+$0x6350];
	[tilespmem:s11+$0x2360] =	vst v2  }
0x15f: {  	v2 =	vld [tilespmem:s28+$0x6360];
	[tilespmem:s11+$0x2370] =	vst v1;
	s11 =	smov.u32 s28  }
0x160: {  	v1 =	vld [tilespmem:s11+$0x6370]  }
0x161: {  	v7 =	vld [tilespmem:s11+$0x2300]  }
0x162: {  	v8 =	vld [tilespmem:s11+$0x2310]  }
.Ltmp4:
0x163: {  	v11 =	vld [tilespmem:s11+$0x2320];
	(pc) =	sbr.rel @p1 .LBB2_11-.Ltmp4, $4  }
0x164: {  	v10 =	vld [tilespmem:s11+$0x2330]  }
0x165: {  	v9 =	vld [tilespmem:s11+$0x2340]  }
0x166: {  	v13 =	vmul.f32 v13, v7;
	v7 =	vld [tilespmem:s11+$0x2350]  }
0x167: {  	s24 =	sadd.s32 $0x200, s24;
	v12 =	vmul.f32 v12, v8;
	v8 =	vld [tilespmem:s11+$0x2360]  }
0x168: {  	[tilespmem:s11+$0x2300] =	vst v13;
	v6 =	vmul.f32 v6, v11;
	v63 =	vld [tilespmem:s11+$0x2370]  }
0x169: {  	[tilespmem:s11+$0x2310] =	vst v12;
	v5 =	vmul.f32 v5, v10  }
0x16a: {  	s26 =	sadd.s32 $0x1, s26;
	[tilespmem:s11+$0x2320] =	vst v6;
	v4 =	vmul.f32 v4, v9  }
0x16b: {  	p1 =	sne.s32 s26, $0x28;
	[tilespmem:s11+$0x2330] =	vst v5;
	v3 =	vmul.f32 v3, v7  }
.Ltmp5:
0x16c: {  	[tilespmem:s11+$0x2340] =	vst v4;
	v2 =	vmul.f32 v2, v8;
	(pc) =	sbr.rel @p1 .LBB2_4-.Ltmp5, $4  }
0x16d: {  	[tilespmem:s11+$0x2350] =	vst v3;
	v1 =	vmul.f32 v1, v63  }
0x16e: {  	[tilespmem:s11+$0x2360] =	vst v2  }
0x16f: {  	[tilespmem:s11+$0x2370] =	vst v1  }
0x170: {  	[spmem:s3] =	stream.indirect.scatter.add.f32 [tilespmem:s13], [sflag:$0x8], $0x80, s21, s9, $0xb8;
	[tilespmem:$0x1BB80] =	vst v63  }
0x171: {  	_ =	swait.ge [sflag:s18], $0x2000  }
0x172: {  	[sflag:s18] =	ssyncset.done $0x0  }
0x173: {  	[sflag:s18] =	ssyncadd.s32 $0xFFFFE000  }
0x174: {  	_ =	swait.ge [sflag:s22], $0x2000  }
0x175: {  	[sflag:s22] =	ssyncset.done $0x0  }
0x176: {  	[sflag:s22] =	ssyncadd.s32 $0xFFFFE000  }
0x177: {  	s11 =	stileid.u32;
	[bflag:$0x0] =	sbarrier.arrive $0xFFFF  }
0x178: {  	s11 =	sshll.u32 s11, $0x6;
	s25 =	rddreg [dreg:$0x7]  }
0x179: {  	s11 =	sor.u32 $0x1C09, s11;
	s26 =	rddreg [dreg:$0x10];
	s24 =	sshrl.u32 s25, $0x3  }
0x17a: {  	[hbm:s26], [sflag:s11] =	dma.local [spmem:s24], $0x2700  }
0x17b: {  	_ =	swait.ge [sflag:s2], $0x2700  }
0x17c: {  	[sflag:s2] =	ssyncset.done $0x0;
	s28 =	rddreg [dreg:$0x16]  }
0x17d: {  	s26 =	rddreg [dreg:$0x13];
	[sflag:s2] =	ssyncadd.s32 $0xFFFFD900;
	s24 =	sshrl.u32 @!p0 s28, $0x3  }
0x17e: {  	[hbm:s26], [sflag:s11] =	dma.local @!p0 [spmem:s24], $0x100  }
0x17f: {  	s11 =	simm.s32 @!p0 $0x9  }
0x180: {  	_ =	swait.ge @!p0 [sflag:s11], $0x100  }
0x181: {  	s29 =	rddreg [dreg:$0x17]  }
0x182: {  	s31 =	rddreg [dreg:$0x14];
	s26 =	sadd.s32 $0x1, s29  }
0x183: {  	p1 =	sne.s32 s26, s31  }
.Ltmp6:
0x184: {  	_ = 	snop;
	(pc) =	sbr.rel @p1 .LBB2_1-.Ltmp6, $3  }
0x185: {  	_ =	sdelay $0x1  }
0x186: {  	[sflag:s11] =	ssyncset.done @!p0 $0x0  }
0x187: {  	[sflag:s11] =	ssyncadd.s32 @!p0 $0xFFFFFF00  }
0x188: {  	_ =	sfence.sel $0x180000  }
0x189: {  	[bflag:$0x0] =	sbarrier.arrive $0xFFFF  }
0x18a: {  	_ =	strace $0x90000047  }
0x18b: {  	s0 =	stileid.u32;
	[bflag:$0x2] =	sbarrier.arrive $0xFFFF  }
0x18c: {  	p0 =	sne.s32 s0, $0x0;
	s0 =	rddreg [dreg:$0x3]  }
0x18d: {  	s0 =	sadd.s32 @!p0 $0x100000, s0  }
0x18e: {  	[sflag:s0] =	ssyncadd.tile.s32 @!p0 $0x1;
	_ =	shalt  }
.Lfunc_end2:
_tile_overlayer_lowered:
.L_overlay_start_2:
0x18f: {  	(tag) =	ssettag $0x2  }
0x190: {  	s0 =	rddreg [dreg:$0x0];
	s2 =	stileid.u32  }
0x191: {  	s1 =	rddreg [dreg:$0x1];
	p0 =	sne.s32 s2, $0x0  }
0x192: {  	s3 =	rddreg [dreg:$0x2];
	[bflag:$0x3] =	sbarrier.arrive $0xFFFF;
	s2 =	simm.s32 @!p0 $0x1C09  }
0x193: {  	[timem:s3], [sflag:s2] =	dma.local @!p0 [hbm:s0], s1  }
0x194: {  	s0 =	simm.s32 @!p0 $0x9  }
0x195: {  	_ =	swait.ge @!p0 [sflag:s0], s1  }
0x196: {  	s1 =	ssub.s32 @!p0 $0x0, s1;
	[sflag:s0] =	ssyncset.done @!p0 $0x0  }
0x197: {  	[sflag:s0] =	ssyncadd.s32 @!p0 s1  }
0x198: {  	[bflag:$0x3] =	sbarrier.arrive $0xFFFF  }
0x199: {  	_ =	shalt  }

</sc_bundles>
